<compile_context>
chip_gen: v7x
topology: tpu7x:2x2x1
jax: 0.10.2.dev20260603
libtpu: 0.0.44.dev20260713+nightly
codegen_flags: <defaults>
</compile_context>

<pallas_src>
import jax
import jax.numpy as jnp
from jax import lax
from jax.experimental import pallas as pl
from jax.experimental.pallas import tpu as pltpu
from jax.experimental.pallas import tpu_sc as plsc

_B, _L = 1024, 200
_V, _D, _H, _C = 1000000, 128, 512, 1000

_NC, _NS = 2, 16
_NW = _NC * _NS
_HALF = _L // 2
_LANES = 16
_DC = _D // _LANES

_NBUF = 4


def _make_pool_body(bpw):
    nh = 2 * bpw

    def _pool_body(words_hbm, emb_hbm, out_hbm, idx_v, *scratch):
        rows = scratch[:_NBUF]
        acc_v = scratch[_NBUF]
        sems = scratch[_NBUF + 1:]
        wid = lax.axis_index("s") * _NC + lax.axis_index("c")
        base = wid * bpw
        pltpu.sync_copy(words_hbm.at[pl.ds(base * 2, nh)], idx_v)

        def start(j, buf):
            pltpu.async_copy(emb_hbm.at[idx_v.at[j]], rows[buf], sems[buf])

        def wait(j, buf):
            pltpu.make_async_copy(emb_hbm.at[idx_v.at[j]], rows[buf],
                                  sems[buf]).wait()

        def reduce_half(j, buf, h):
            wait(j, buf)
            r = rows[buf]
            accs = tuple(r[0, pl.ds(c * _LANES, _LANES)] for c in range(_DC))

            def body(l, accs):
                return tuple(jnp.maximum(a, r[l, pl.ds(c * _LANES, _LANES)])
                             for c, a in enumerate(accs))

            accs = lax.fori_loop(1, _HALF, body, accs, unroll=3)
            s = j // 2
            if h == 0:
                for c in range(_DC):
                    acc_v[s, pl.ds(c * _LANES, _LANES)] = accs[c]
            else:
                for c in range(_DC):
                    acc_v[s, pl.ds(c * _LANES, _LANES)] = jnp.maximum(
                        acc_v[s, pl.ds(c * _LANES, _LANES)], accs[c])

        for j in range(_NBUF):
            start(j, j)

        @pl.loop(0, nh, step=_NBUF)
        def _(j0):
            for b in range(_NBUF):
                reduce_half(j0 + b, b, b % 2)

                @pl.when(j0 + b + _NBUF < nh)
                def _():
                    start(j0 + b + _NBUF, b)

        pltpu.sync_copy(acc_v, out_hbm.at[pl.ds(base, bpw)])

    return _pool_body


def _pool(words_chunk, emb, bc):
    bpw = bc // _NW
    mesh = plsc.VectorSubcoreMesh(core_axis_name="c", subcore_axis_name="s")
    f = pl.kernel(
        _make_pool_body(bpw),
        out_type=jax.ShapeDtypeStruct((bc, _D), jnp.float32),
        mesh=mesh,
        scratch_types=(
            [pltpu.VMEM((2 * bpw, _HALF), jnp.int32)]
            + [pltpu.VMEM((_HALF, _D), jnp.float32) for _ in range(_NBUF)]
            + [pltpu.VMEM((bpw, _D), jnp.float32)]
            + [pltpu.SemaphoreType.DMA for _ in range(_NBUF)]
        ),
    )
    return f(words_chunk, emb)


_BT = 512


def _mlp_body(x_ref, w1_ref, w2_ref, wc_ref,
              b1_ref, g1_ref, be1_ref, m1_ref, v1_ref,
              b2_ref, g2_ref, be2_ref, m2_ref, v2_ref,
              bc_ref, gc_ref, bec_ref, mc_ref, vc_ref,
              out_ref):
    def bn(h, g, be, m, v):
        return (h - m[...]) / jnp.sqrt(v[...] + 1e-5) * g[...] + be[...]

    def elu(h):
        return jnp.where(h > 0, h, jnp.exp(h) - 1.0)

    def matmul_nt(a, w):
        return lax.dot_general(a, w, (((1,), (1,)), ((), ())),
                               preferred_element_type=jnp.float32)

    h = matmul_nt(x_ref[...], w1_ref[...])
    h = elu(bn(h + b1_ref[...], g1_ref, be1_ref, m1_ref, v1_ref))
    h = matmul_nt(h, w2_ref[...])
    h = elu(bn(h + b2_ref[...], g2_ref, be2_ref, m2_ref, v2_ref))
    o = matmul_nt(h, wc_ref[...])
    out_ref[...] = bn(o + bc_ref[...], gc_ref, bec_ref, mc_ref, vc_ref)


def _mlp(x, w1t, w2t, wct, *vecs):
    bc = x.shape[0]
    full = lambda shape: pl.BlockSpec(shape, lambda i: (0, 0))
    vec_specs = [full(v.shape) for v in vecs]
    bt = min(_BT, bc)
    return pl.pallas_call(
        _mlp_body,
        grid=(bc // bt,),
        in_specs=[pl.BlockSpec((bt, _D), lambda i: (i, 0)),
                  full((_H, _D)), full((_H, _H)), full((_C, _H))]
                 + vec_specs,
        out_specs=pl.BlockSpec((bt, _C), lambda i: (i, 0)),
        out_shape=jax.ShapeDtypeStruct((bc, _C), jnp.float32),
    )(x, w1t, w2t, wct, *vecs)


def kernel(input_words, emb, W1, b1, g1, be1, m1, v1,
           W2, b2, g2, be2, m2, v2, Wc, bc, gc, bec, mc, vc):
    words2 = input_words.astype(jnp.int32).reshape(2 * _B, _HALF)

    row = lambda v: v.reshape(1, -1)
    weights = (W1, W2, Wc,
               row(b1), row(g1), row(be1), row(m1), row(v1),
               row(b2), row(g2), row(be2), row(m2), row(v2),
               row(bc), row(gc), row(bec), row(mc), row(vc))

    return _mlp(_pool(words2, emb, _B), *weights)

# --- scband reference (transcript-rebuilt; emitter-appended) ---
"""Pipeline reference for scband-dan-model-50096498540600 (READ-ONLY COPY).

The authoritative reference and input builder live on the scoring server;
editing this copy changes nothing except your own understanding.
"""

import jax, jax.numpy as jnp
import numpy as np

B, L = 1024, 200
V, D, H, C = 1000000, 128, 512, 1000


def _bn(x, g, b, m, v, eps=1e-5):
    return (x - m) / jnp.sqrt(v + eps) * g + b


def setup_inputs(seed: int = 0):
    key = jax.random.key(seed)
    ks = jax.random.split(key, 8)
    input_words = jax.random.randint(ks[0], (B, L), 0, V)
    emb = jax.random.normal(ks[1], (V, D), dtype=jnp.float32) * 0.02
    emb = emb.at[0].set(0.0)  # padding_idx = 0
    W1 = jax.random.normal(ks[2], (H, D), dtype=jnp.float32) * (1.0 / np.sqrt(D))
    b1 = jnp.zeros((H,), jnp.float32)
    g1 = jnp.ones((H,), jnp.float32); be1 = jnp.zeros((H,), jnp.float32)
    m1 = jnp.zeros((H,), jnp.float32); v1 = jnp.ones((H,), jnp.float32)
    W2 = jax.random.normal(ks[3], (H, H), dtype=jnp.float32) * (1.0 / np.sqrt(H))
    b2 = jnp.zeros((H,), jnp.float32)
    g2 = jnp.ones((H,), jnp.float32); be2 = jnp.zeros((H,), jnp.float32)
    m2 = jnp.zeros((H,), jnp.float32); v2 = jnp.ones((H,), jnp.float32)
    Wc = jax.random.normal(ks[4], (C, H), dtype=jnp.float32) * (1.0 / np.sqrt(H))
    bc = jnp.zeros((C,), jnp.float32)
    gc = jnp.ones((C,), jnp.float32); bec = jnp.zeros((C,), jnp.float32)
    mc = jnp.zeros((C,), jnp.float32); vc = jnp.ones((C,), jnp.float32)
    return {"input_words": input_words, "emb": emb,
            "W1": W1, "b1": b1, "g1": g1, "be1": be1, "m1": m1, "v1": v1,
            "W2": W2, "b2": b2, "g2": g2, "be2": be2, "m2": m2, "v2": v2,
            "Wc": Wc, "bc": bc, "gc": gc, "bec": bec, "mc": mc, "vc": vc}


def reference(input_words, emb, W1, b1, g1, be1, m1, v1,
              W2, b2, g2, be2, m2, v2, Wc, bc, gc, bec, mc, vc):
    # embedding lookup: [B, L, D]
    e = jnp.take(emb, input_words, axis=0)
    # max pool over sequence: [B, D]
    x = jnp.max(e, axis=1)
    # dropout is identity in eval mode
    # encoder layer 1: Linear -> BatchNorm1d -> ELU
    h = x @ W1.T + b1
    h = jax.nn.elu(_bn(h, g1, be1, m1, v1))
    # encoder layer 2
    h = h @ W2.T + b2
    h = jax.nn.elu(_bn(h, g2, be2, m2, v2))
    # classifier: Linear -> BatchNorm1d (dropout identity)
    out = h @ Wc.T + bc
    out = _bn(out, gc, bec, mc, vc)
    return out

if __name__ == "__main__":
    import jax
    _d = setup_inputs()
    print(jax.jit(kernel)(*tuple(_d.values())))

</pallas_src>

<mosaic_0001>
#map = affine_map<(d0, d1) -> (0, 0)>
module attributes {stable_mosaic.version = 14 : i64} {
  func.func @_pool_body(%arg0: i32, %arg1: i32, %arg2: memref<2048x100xi32, #tpu.memory_space<hbm>>, %arg3: memref<1000000x128xf32, #tpu.memory_space<hbm>>, %arg4: memref<1024x128xf32, #tpu.memory_space<hbm>>, %arg5: memref<64x100xi32, #tpu.memory_space<vmem>>, %arg6: memref<100x128xf32, #tpu.memory_space<vmem>>, %arg7: memref<100x128xf32, #tpu.memory_space<vmem>>, %arg8: memref<100x128xf32, #tpu.memory_space<vmem>>, %arg9: memref<100x128xf32, #tpu.memory_space<vmem>>, %arg10: memref<32x128xf32, #tpu.memory_space<vmem>>, %arg11: memref<!tpu.dma_semaphore, #tpu.memory_space<semaphore_mem>>, %arg12: memref<!tpu.dma_semaphore, #tpu.memory_space<semaphore_mem>>, %arg13: memref<!tpu.dma_semaphore, #tpu.memory_space<semaphore_mem>>, %arg14: memref<!tpu.dma_semaphore, #tpu.memory_space<semaphore_mem>>) attributes {dimension_semantics = [#tpu.dimension_semantics<core_parallel>, #tpu.dimension_semantics<subcore_parallel>], iteration_bounds = array<i64: 2, 16>, scalar_prefetch = 0 : i64, scratch_operands = 10 : i64, tpu.core_type = #tpu.core_type<sc_vector_subcore>, window_params = [{transform_indices = #map}, {transform_indices = #map}, {transform_indices = #map}]} {
    %mul3A = arith.constant 2 : i32
    %mul3A_0 = arith.muli %arg1, %mul3A : i32
    %add3A = arith.addi %mul3A_0, %arg0 : i32
    %mul3A_1 = arith.constant 32 : i32
    %mul3A_2 = arith.muli %add3A, %mul3A_1 : i32
    %mul3A_3 = arith.constant 2 : i32
    %mul3A_4 = arith.muli %mul3A_2, %mul3A_3 : i32
    "tpu.region"() ({
      %run_scoped3A = tpu.sem_alloc : memref<!tpu.dma_semaphore, #tpu.memory_space<semaphore_mem>>
      %dma_start3A_36 = arith.constant 0 : i32
      %dma_start3A_37 = tpu.memref_slice %arg2[%mul3A_4, %dma_start3A_36] : memref<2048x100xi32, #tpu.memory_space<hbm>> -> memref<64x100xi32, #tpu.memory_space<hbm>>
      %dma_start3A_38 = arith.constant 0 : i32
      %dma_start3A_39 = tpu.memref_slice %arg2[%mul3A_4, %dma_start3A_38] : memref<2048x100xi32, #tpu.memory_space<hbm>> -> memref<64x100xi32, #tpu.memory_space<hbm>>
      tpu.enqueue_dma source(%dma_start3A_39 : memref<64x100xi32, #tpu.memory_space<hbm>>) target(%arg5 : memref<64x100xi32, #tpu.memory_space<vmem>>) target_semaphore(%run_scoped3A : memref<!tpu.dma_semaphore, #tpu.memory_space<semaphore_mem>>)
      %dma_wait3A = arith.constant 0 : i32
      %dma_wait3A_40 = tpu.memref_slice %arg2[%mul3A_4, %dma_wait3A] : memref<2048x100xi32, #tpu.memory_space<hbm>> -> memref<64x100xi32, #tpu.memory_space<hbm>>
      %dma_wait3A_41 = arith.constant 0 : i32
      %dma_wait3A_42 = tpu.memref_slice %arg2[%mul3A_4, %dma_wait3A_41] : memref<2048x100xi32, #tpu.memory_space<hbm>> -> memref<64x100xi32, #tpu.memory_space<hbm>>
      tpu.wait_dma2 semaphore(%run_scoped3A : memref<!tpu.dma_semaphore, #tpu.memory_space<semaphore_mem>>) src(%dma_wait3A_42 : memref<64x100xi32, #tpu.memory_space<hbm>>) dst(%arg5 : memref<64x100xi32, #tpu.memory_space<vmem>>)
      tpu.yield
    }) : () -> ()
    %dma_start3A = arith.constant 0 : i32
    %dma_start3A_5 = arith.constant 0 : i32
    %dma_start3A_6 = tpu.memref_slice %arg5[%dma_start3A, %dma_start3A_5] : memref<64x100xi32, #tpu.memory_space<vmem>> -> memref<1x100xi32, #tpu.memory_space<vmem>>
    %dma_start3A_7 = tpu.memref_squeeze %dma_start3A_6 : memref<1x100xi32, #tpu.memory_space<vmem>> -> memref<100xi32, #tpu.memory_space<vmem>>
    %dma_start3A_8 = arith.constant 0 : i32
    %dma_start3A_9 = arith.constant 0 : i32
    %dma_start3A_10 = tpu.memref_slice %arg3[%dma_start3A_8, %dma_start3A_9] : memref<1000000x128xf32, #tpu.memory_space<hbm>> -> memref<1000000x128xf32, #tpu.memory_space<hbm>>
    tpu.enqueue_indirect_dma source(%dma_start3A_10 : memref<1000000x128xf32, #tpu.memory_space<hbm>>) target(%arg6 : memref<100x128xf32, #tpu.memory_space<vmem>>) offsets(%dma_start3A_7 : memref<100xi32, #tpu.memory_space<vmem>>) semaphore(%arg11 : memref<!tpu.dma_semaphore, #tpu.memory_space<semaphore_mem>>)
    %dma_start3A_11 = arith.constant 1 : i32
    %dma_start3A_12 = arith.constant 0 : i32
    %dma_start3A_13 = tpu.memref_slice %arg5[%dma_start3A_11, %dma_start3A_12] : memref<64x100xi32, #tpu.memory_space<vmem>> -> memref<1x100xi32, #tpu.memory_space<vmem>>
    %dma_start3A_14 = tpu.memref_squeeze %dma_start3A_13 : memref<1x100xi32, #tpu.memory_space<vmem>> -> memref<100xi32, #tpu.memory_space<vmem>>
    %dma_start3A_15 = arith.constant 0 : i32
    %dma_start3A_16 = arith.constant 0 : i32
    %dma_start3A_17 = tpu.memref_slice %arg3[%dma_start3A_15, %dma_start3A_16] : memref<1000000x128xf32, #tpu.memory_space<hbm>> -> memref<1000000x128xf32, #tpu.memory_space<hbm>>
    tpu.enqueue_indirect_dma source(%dma_start3A_17 : memref<1000000x128xf32, #tpu.memory_space<hbm>>) target(%arg7 : memref<100x128xf32, #tpu.memory_space<vmem>>) offsets(%dma_start3A_14 : memref<100xi32, #tpu.memory_space<vmem>>) semaphore(%arg12 : memref<!tpu.dma_semaphore, #tpu.memory_space<semaphore_mem>>)
    %dma_start3A_18 = arith.constant 2 : i32
    %dma_start3A_19 = arith.constant 0 : i32
    %dma_start3A_20 = tpu.memref_slice %arg5[%dma_start3A_18, %dma_start3A_19] : memref<64x100xi32, #tpu.memory_space<vmem>> -> memref<1x100xi32, #tpu.memory_space<vmem>>
    %dma_start3A_21 = tpu.memref_squeeze %dma_start3A_20 : memref<1x100xi32, #tpu.memory_space<vmem>> -> memref<100xi32, #tpu.memory_space<vmem>>
    %dma_start3A_22 = arith.constant 0 : i32
    %dma_start3A_23 = arith.constant 0 : i32
    %dma_start3A_24 = tpu.memref_slice %arg3[%dma_start3A_22, %dma_start3A_23] : memref<1000000x128xf32, #tpu.memory_space<hbm>> -> memref<1000000x128xf32, #tpu.memory_space<hbm>>
    tpu.enqueue_indirect_dma source(%dma_start3A_24 : memref<1000000x128xf32, #tpu.memory_space<hbm>>) target(%arg8 : memref<100x128xf32, #tpu.memory_space<vmem>>) offsets(%dma_start3A_21 : memref<100xi32, #tpu.memory_space<vmem>>) semaphore(%arg13 : memref<!tpu.dma_semaphore, #tpu.memory_space<semaphore_mem>>)
    %dma_start3A_25 = arith.constant 3 : i32
    %dma_start3A_26 = arith.constant 0 : i32
    %dma_start3A_27 = tpu.memref_slice %arg5[%dma_start3A_25, %dma_start3A_26] : memref<64x100xi32, #tpu.memory_space<vmem>> -> memref<1x100xi32, #tpu.memory_space<vmem>>
    %dma_start3A_28 = tpu.memref_squeeze %dma_start3A_27 : memref<1x100xi32, #tpu.memory_space<vmem>> -> memref<100xi32, #tpu.memory_space<vmem>>
    %dma_start3A_29 = arith.constant 0 : i32
    %dma_start3A_30 = arith.constant 0 : i32
    %dma_start3A_31 = tpu.memref_slice %arg3[%dma_start3A_29, %dma_start3A_30] : memref<1000000x128xf32, #tpu.memory_space<hbm>> -> memref<1000000x128xf32, #tpu.memory_space<hbm>>
    tpu.enqueue_indirect_dma source(%dma_start3A_31 : memref<1000000x128xf32, #tpu.memory_space<hbm>>) target(%arg9 : memref<100x128xf32, #tpu.memory_space<vmem>>) offsets(%dma_start3A_28 : memref<100xi32, #tpu.memory_space<vmem>>) semaphore(%arg14 : memref<!tpu.dma_semaphore, #tpu.memory_space<semaphore_mem>>)
    %scan3A = arith.constant 0 : i32
    %scan3A_32 = arith.constant 16 : i32
    %scan3A_33 = arith.addi %scan3A, %scan3A_32 : i32
    %scan3A_34 = arith.constant 1 : i32
    scf.for %scan3A_36 = %scan3A to %scan3A_33 step %scan3A_34  : i32 {
      %mul3A_37 = arith.constant 4 : i32
      %mul3A_38 = arith.muli %scan3A_36, %mul3A_37 : i32
      %add3A_39 = arith.constant 0 : i32
      %add3A_40 = arith.addi %add3A_39, %mul3A_38 : i32
      %add3A_41 = arith.constant 0 : i32
      %add3A_42 = arith.addi %add3A_40, %add3A_41 : i32
      %dma_wait3A = arith.constant 0 : i32
      %dma_wait3A_43 = tpu.memref_slice %arg5[%add3A_42, %dma_wait3A] : memref<64x100xi32, #tpu.memory_space<vmem>> -> memref<1x100xi32, #tpu.memory_space<vmem>>
      %dma_wait3A_44 = tpu.memref_squeeze %dma_wait3A_43 : memref<1x100xi32, #tpu.memory_space<vmem>> -> memref<100xi32, #tpu.memory_space<vmem>>
      %dma_wait3A_45 = arith.constant 0 : i32
      %dma_wait3A_46 = arith.constant 0 : i32
      %dma_wait3A_47 = tpu.memref_slice %arg3[%dma_wait3A_45, %dma_wait3A_46] : memref<1000000x128xf32, #tpu.memory_space<hbm>> -> memref<1000000x128xf32, #tpu.memory_space<hbm>>
      tpu.wait_indirect_dma semaphore(%arg11 : memref<!tpu.dma_semaphore, #tpu.memory_space<semaphore_mem>>) src(%dma_wait3A_47 : memref<1000000x128xf32, #tpu.memory_space<hbm>>) dst(%arg6 : memref<100x128xf32, #tpu.memory_space<vmem>>)
      %get3A = arith.constant 0 : i32
      %get3A_48 = arith.index_cast %get3A : i32 to index
      %get3A_49 = arith.constant 0 : index
      %get3A_50 = tpu.vector_load %arg6[%get3A_48, %get3A_49] {strides = array<i32>} : memref<100x128xf32, #tpu.memory_space<vmem>>, vector<1x16xf32>,
      %get3A_51 = vector.shape_cast %get3A_50 : vector<1x16xf32> to vector<16xf32>
      %get3A_52 = arith.constant 0 : i32
      %get3A_53 = arith.index_cast %get3A_52 : i32 to index
      %get3A_54 = arith.constant 16 : index
      %get3A_55 = tpu.vector_load %arg6[%get3A_53, %get3A_54] {strides = array<i32>} : memref<100x128xf32, #tpu.memory_space<vmem>>, vector<1x16xf32>,
      %get3A_56 = vector.shape_cast %get3A_55 : vector<1x16xf32> to vector<16xf32>
      %get3A_57 = arith.constant 0 : i32
      %get3A_58 = arith.index_cast %get3A_57 : i32 to index
      %get3A_59 = arith.constant 32 : index
      %get3A_60 = tpu.vector_load %arg6[%get3A_58, %get3A_59] {strides = array<i32>} : memref<100x128xf32, #tpu.memory_space<vmem>>, vector<1x16xf32>,
      %get3A_61 = vector.shape_cast %get3A_60 : vector<1x16xf32> to vector<16xf32>
      %get3A_62 = arith.constant 0 : i32
      %get3A_63 = arith.index_cast %get3A_62 : i32 to index
      %get3A_64 = arith.constant 48 : index
      %get3A_65 = tpu.vector_load %arg6[%get3A_63, %get3A_64] {strides = array<i32>} : memref<100x128xf32, #tpu.memory_space<vmem>>, vector<1x16xf32>,
      %get3A_66 = vector.shape_cast %get3A_65 : vector<1x16xf32> to vector<16xf32>
      %get3A_67 = arith.constant 0 : i32
      %get3A_68 = arith.index_cast %get3A_67 : i32 to index
      %get3A_69 = arith.constant 64 : index
      %get3A_70 = tpu.vector_load %arg6[%get3A_68, %get3A_69] {strides = array<i32>} : memref<100x128xf32, #tpu.memory_space<vmem>>, vector<1x16xf32>,
      %get3A_71 = vector.shape_cast %get3A_70 : vector<1x16xf32> to vector<16xf32>
      %get3A_72 = arith.constant 0 : i32
      %get3A_73 = arith.index_cast %get3A_72 : i32 to index
      %get3A_74 = arith.constant 80 : index
      %get3A_75 = tpu.vector_load %arg6[%get3A_73, %get3A_74] {strides = array<i32>} : memref<100x128xf32, #tpu.memory_space<vmem>>, vector<1x16xf32>,
      %get3A_76 = vector.shape_cast %get3A_75 : vector<1x16xf32> to vector<16xf32>
      %get3A_77 = arith.constant 0 : i32
      %get3A_78 = arith.index_cast %get3A_77 : i32 to index
      %get3A_79 = arith.constant 96 : index
      %get3A_80 = tpu.vector_load %arg6[%get3A_78, %get3A_79] {strides = array<i32>} : memref<100x128xf32, #tpu.memory_space<vmem>>, vector<1x16xf32>,
      %get3A_81 = vector.shape_cast %get3A_80 : vector<1x16xf32> to vector<16xf32>
      %get3A_82 = arith.constant 0 : i32
      %get3A_83 = arith.index_cast %get3A_82 : i32 to index
      %get3A_84 = arith.constant 112 : index
      %get3A_85 = tpu.vector_load %arg6[%get3A_83, %get3A_84] {strides = array<i32>} : memref<100x128xf32, #tpu.memory_space<vmem>>, vector<1x16xf32>,
      %get3A_86 = vector.shape_cast %get3A_85 : vector<1x16xf32> to vector<16xf32>
      %scan3A_87 = arith.constant 1 : i32
      %scan3A_88 = arith.constant 99 : i32
      %scan3A_89 = arith.addi %scan3A_87, %scan3A_88 : i32
      %scan3A_90 = arith.constant 3 : i32
      %scan3A_91:8 = scf.for %scan3A_614 = %scan3A_87 to %scan3A_89 step %scan3A_90 iter_args(%scan3A_615 = %get3A_51, %scan3A_616 = %get3A_56, %scan3A_617 = %get3A_61, %scan3A_618 = %get3A_66, %scan3A_619 = %get3A_71, %scan3A_620 = %get3A_76, %scan3A_621 = %get3A_81, %scan3A_622 = %get3A_86) -> (vector<16xf32>, vector<16xf32>, vector<16xf32>, vector<16xf32>, vector<16xf32>, vector<16xf32>, vector<16xf32>, vector<16xf32>)  : i32 {
        %get3A_623 = arith.index_cast %scan3A_614 : i32 to index
        %get3A_624 = arith.constant 0 : index
        %get3A_625 = tpu.vector_load %arg6[%get3A_623, %get3A_624] {strides = array<i32>} : memref<100x128xf32, #tpu.memory_space<vmem>>, vector<1x16xf32>,
        %get3A_626 = vector.shape_cast %get3A_625 : vector<1x16xf32> to vector<16xf32>
        %max3A_627 = arith.maximumf %scan3A_615, %get3A_626 : vector<16xf32>
        %get3A_628 = arith.index_cast %scan3A_614 : i32 to index
        %get3A_629 = arith.constant 16 : index
        %get3A_630 = tpu.vector_load %arg6[%get3A_628, %get3A_629] {strides = array<i32>} : memref<100x128xf32, #tpu.memory_space<vmem>>, vector<1x16xf32>,
        %get3A_631 = vector.shape_cast %get3A_630 : vector<1x16xf32> to vector<16xf32>
        %max3A_632 = arith.maximumf %scan3A_616, %get3A_631 : vector<16xf32>
        %get3A_633 = arith.index_cast %scan3A_614 : i32 to index
        %get3A_634 = arith.constant 32 : index
        %get3A_635 = tpu.vector_load %arg6[%get3A_633, %get3A_634] {strides = array<i32>} : memref<100x128xf32, #tpu.memory_space<vmem>>, vector<1x16xf32>,
        %get3A_636 = vector.shape_cast %get3A_635 : vector<1x16xf32> to vector<16xf32>
        %max3A_637 = arith.maximumf %scan3A_617, %get3A_636 : vector<16xf32>
        %get3A_638 = arith.index_cast %scan3A_614 : i32 to index
        %get3A_639 = arith.constant 48 : index
        %get3A_640 = tpu.vector_load %arg6[%get3A_638, %get3A_639] {strides = array<i32>} : memref<100x128xf32, #tpu.memory_space<vmem>>, vector<1x16xf32>,
        %get3A_641 = vector.shape_cast %get3A_640 : vector<1x16xf32> to vector<16xf32>
        %max3A_642 = arith.maximumf %scan3A_618, %get3A_641 : vector<16xf32>
        %get3A_643 = arith.index_cast %scan3A_614 : i32 to index
        %get3A_644 = arith.constant 64 : index
        %get3A_645 = tpu.vector_load %arg6[%get3A_643, %get3A_644] {strides = array<i32>} : memref<100x128xf32, #tpu.memory_space<vmem>>, vector<1x16xf32>,
        %get3A_646 = vector.shape_cast %get3A_645 : vector<1x16xf32> to vector<16xf32>
        %max3A_647 = arith.maximumf %scan3A_619, %get3A_646 : vector<16xf32>
        %get3A_648 = arith.index_cast %scan3A_614 : i32 to index
        %get3A_649 = arith.constant 80 : index
        %get3A_650 = tpu.vector_load %arg6[%get3A_648, %get3A_649] {strides = array<i32>} : memref<100x128xf32, #tpu.memory_space<vmem>>, vector<1x16xf32>,
        %get3A_651 = vector.shape_cast %get3A_650 : vector<1x16xf32> to vector<16xf32>
        %max3A_652 = arith.maximumf %scan3A_620, %get3A_651 : vector<16xf32>
        %get3A_653 = arith.index_cast %scan3A_614 : i32 to index
        %get3A_654 = arith.constant 96 : index
        %get3A_655 = tpu.vector_load %arg6[%get3A_653, %get3A_654] {strides = array<i32>} : memref<100x128xf32, #tpu.memory_space<vmem>>, vector<1x16xf32>,
        %get3A_656 = vector.shape_cast %get3A_655 : vector<1x16xf32> to vector<16xf32>
        %max3A_657 = arith.maximumf %scan3A_621, %get3A_656 : vector<16xf32>
        %get3A_658 = arith.index_cast %scan3A_614 : i32 to index
        %get3A_659 = arith.constant 112 : index
        %get3A_660 = tpu.vector_load %arg6[%get3A_658, %get3A_659] {strides = array<i32>} : memref<100x128xf32, #tpu.memory_space<vmem>>, vector<1x16xf32>,
        %get3A_661 = vector.shape_cast %get3A_660 : vector<1x16xf32> to vector<16xf32>
        %max3A_662 = arith.maximumf %scan3A_622, %get3A_661 : vector<16xf32>
        %scan3A_663 = arith.constant 1 : i32
        %scan3A_664 = arith.addi %scan3A_614, %scan3A_663 : i32
        %get3A_665 = arith.index_cast %scan3A_664 : i32 to index
        %get3A_666 = arith.constant 0 : index
        %get3A_667 = tpu.vector_load %arg6[%get3A_665, %get3A_666] {strides = array<i32>} : memref<100x128xf32, #tpu.memory_space<vmem>>, vector<1x16xf32>,
        %get3A_668 = vector.shape_cast %get3A_667 : vector<1x16xf32> to vector<16xf32>
        %max3A_669 = arith.maximumf %max3A_627, %get3A_668 : vector<16xf32>
        %get3A_670 = arith.index_cast %scan3A_664 : i32 to index
        %get3A_671 = arith.constant 16 : index
        %get3A_672 = tpu.vector_load %arg6[%get3A_670, %get3A_671] {strides = array<i32>} : memref<100x128xf32, #tpu.memory_space<vmem>>, vector<1x16xf32>,
        %get3A_673 = vector.shape_cast %get3A_672 : vector<1x16xf32> to vector<16xf32>
        %max3A_674 = arith.maximumf %max3A_632, %get3A_673 : vector<16xf32>
        %get3A_675 = arith.index_cast %scan3A_664 : i32 to index
        %get3A_676 = arith.constant 32 : index
        %get3A_677 = tpu.vector_load %arg6[%get3A_675, %get3A_676] {strides = array<i32>} : memref<100x128xf32, #tpu.memory_space<vmem>>, vector<1x16xf32>,
        %get3A_678 = vector.shape_cast %get3A_677 : vector<1x16xf32> to vector<16xf32>
        %max3A_679 = arith.maximumf %max3A_637, %get3A_678 : vector<16xf32>
        %get3A_680 = arith.index_cast %scan3A_664 : i32 to index
        %get3A_681 = arith.constant 48 : index
        %get3A_682 = tpu.vector_load %arg6[%get3A_680, %get3A_681] {strides = array<i32>} : memref<100x128xf32, #tpu.memory_space<vmem>>, vector<1x16xf32>,
        %get3A_683 = vector.shape_cast %get3A_682 : vector<1x16xf32> to vector<16xf32>
        %max3A_684 = arith.maximumf %max3A_642, %get3A_683 : vector<16xf32>
        %get3A_685 = arith.index_cast %scan3A_664 : i32 to index
        %get3A_686 = arith.constant 64 : index
        %get3A_687 = tpu.vector_load %arg6[%get3A_685, %get3A_686] {strides = array<i32>} : memref<100x128xf32, #tpu.memory_space<vmem>>, vector<1x16xf32>,
        %get3A_688 = vector.shape_cast %get3A_687 : vector<1x16xf32> to vector<16xf32>
        %max3A_689 = arith.maximumf %max3A_647, %get3A_688 : vector<16xf32>
        %get3A_690 = arith.index_cast %scan3A_664 : i32 to index
        %get3A_691 = arith.constant 80 : index
        %get3A_692 = tpu.vector_load %arg6[%get3A_690, %get3A_691] {strides = array<i32>} : memref<100x128xf32, #tpu.memory_space<vmem>>, vector<1x16xf32>,
        %get3A_693 = vector.shape_cast %get3A_692 : vector<1x16xf32> to vector<16xf32>
        %max3A_694 = arith.maximumf %max3A_652, %get3A_693 : vector<16xf32>
        %get3A_695 = arith.index_cast %scan3A_664 : i32 to index
        %get3A_696 = arith.constant 96 : index
        %get3A_697 = tpu.vector_load %arg6[%get3A_695, %get3A_696] {strides = array<i32>} : memref<100x128xf32, #tpu.memory_space<vmem>>, vector<1x16xf32>,
        %get3A_698 = vector.shape_cast %get3A_697 : vector<1x16xf32> to vector<16xf32>
        %max3A_699 = arith.maximumf %max3A_657, %get3A_698 : vector<16xf32>
        %get3A_700 = arith.index_cast %scan3A_664 : i32 to index
        %get3A_701 = arith.constant 112 : index
        %get3A_702 = tpu.vector_load %arg6[%get3A_700, %get3A_701] {strides = array<i32>} : memref<100x128xf32, #tpu.memory_space<vmem>>, vector<1x16xf32>,
        %get3A_703 = vector.shape_cast %get3A_702 : vector<1x16xf32> to vector<16xf32>
        %max3A_704 = arith.maximumf %max3A_662, %get3A_703 : vector<16xf32>
        %scan3A_705 = arith.constant 2 : i32
        %scan3A_706 = arith.addi %scan3A_614, %scan3A_705 : i32
        %get3A_707 = arith.index_cast %scan3A_706 : i32 to index
        %get3A_708 = arith.constant 0 : index
        %get3A_709 = tpu.vector_load %arg6[%get3A_707, %get3A_708] {strides = array<i32>} : memref<100x128xf32, #tpu.memory_space<vmem>>, vector<1x16xf32>,
        %get3A_710 = vector.shape_cast %get3A_709 : vector<1x16xf32> to vector<16xf32>
        %max3A_711 = arith.maximumf %max3A_669, %get3A_710 : vector<16xf32>
        %get3A_712 = arith.index_cast %scan3A_706 : i32 to index
        %get3A_713 = arith.constant 16 : index
        %get3A_714 = tpu.vector_load %arg6[%get3A_712, %get3A_713] {strides = array<i32>} : memref<100x128xf32, #tpu.memory_space<vmem>>, vector<1x16xf32>,
        %get3A_715 = vector.shape_cast %get3A_714 : vector<1x16xf32> to vector<16xf32>
        %max3A_716 = arith.maximumf %max3A_674, %get3A_715 : vector<16xf32>
        %get3A_717 = arith.index_cast %scan3A_706 : i32 to index
        %get3A_718 = arith.constant 32 : index
        %get3A_719 = tpu.vector_load %arg6[%get3A_717, %get3A_718] {strides = array<i32>} : memref<100x128xf32, #tpu.memory_space<vmem>>, vector<1x16xf32>,
        %get3A_720 = vector.shape_cast %get3A_719 : vector<1x16xf32> to vector<16xf32>
        %max3A_721 = arith.maximumf %max3A_679, %get3A_720 : vector<16xf32>
        %get3A_722 = arith.index_cast %scan3A_706 : i32 to index
        %get3A_723 = arith.constant 48 : index
        %get3A_724 = tpu.vector_load %arg6[%get3A_722, %get3A_723] {strides = array<i32>} : memref<100x128xf32, #tpu.memory_space<vmem>>, vector<1x16xf32>,
        %get3A_725 = vector.shape_cast %get3A_724 : vector<1x16xf32> to vector<16xf32>
        %max3A_726 = arith.maximumf %max3A_684, %get3A_725 : vector<16xf32>
        %get3A_727 = arith.index_cast %scan3A_706 : i32 to index
        %get3A_728 = arith.constant 64 : index
        %get3A_729 = tpu.vector_load %arg6[%get3A_727, %get3A_728] {strides = array<i32>} : memref<100x128xf32, #tpu.memory_space<vmem>>, vector<1x16xf32>,
        %get3A_730 = vector.shape_cast %get3A_729 : vector<1x16xf32> to vector<16xf32>
        %max3A_731 = arith.maximumf %max3A_689, %get3A_730 : vector<16xf32>
        %get3A_732 = arith.index_cast %scan3A_706 : i32 to index
        %get3A_733 = arith.constant 80 : index
        %get3A_734 = tpu.vector_load %arg6[%get3A_732, %get3A_733] {strides = array<i32>} : memref<100x128xf32, #tpu.memory_space<vmem>>, vector<1x16xf32>,
        %get3A_735 = vector.shape_cast %get3A_734 : vector<1x16xf32> to vector<16xf32>
        %max3A_736 = arith.maximumf %max3A_694, %get3A_735 : vector<16xf32>
        %get3A_737 = arith.index_cast %scan3A_706 : i32 to index
        %get3A_738 = arith.constant 96 : index
        %get3A_739 = tpu.vector_load %arg6[%get3A_737, %get3A_738] {strides = array<i32>} : memref<100x128xf32, #tpu.memory_space<vmem>>, vector<1x16xf32>,
        %get3A_740 = vector.shape_cast %get3A_739 : vector<1x16xf32> to vector<16xf32>
        %max3A_741 = arith.maximumf %max3A_699, %get3A_740 : vector<16xf32>
        %get3A_742 = arith.index_cast %scan3A_706 : i32 to index
        %get3A_743 = arith.constant 112 : index
        %get3A_744 = tpu.vector_load %arg6[%get3A_742, %get3A_743] {strides = array<i32>} : memref<100x128xf32, #tpu.memory_space<vmem>>, vector<1x16xf32>,
        %get3A_745 = vector.shape_cast %get3A_744 : vector<1x16xf32> to vector<16xf32>
        %max3A_746 = arith.maximumf %max3A_704, %get3A_745 : vector<16xf32>
        scf.yield %max3A_711, %max3A_716, %max3A_721, %max3A_726, %max3A_731, %max3A_736, %max3A_741, %max3A_746 : vector<16xf32>, vector<16xf32>, vector<16xf32>, vector<16xf32>, vector<16xf32>, vector<16xf32>, vector<16xf32>, vector<16xf32>
      }
      %scan3A_92 = arith.constant 99 : i32
      %jit3A = arith.constant 2 : i32
      %div3A = arith.divsi %add3A_42, %jit3A : i32
      %sign3A = arith.constant 0 : i32
      %sign3A_93 = arith.cmpi sgt, %add3A_42, %sign3A : i32
      %sign3A_94 = arith.extui %sign3A_93 : i1 to i32
      %sign3A_95 = arith.constant 0 : i32
      %sign3A_96 = arith.cmpi slt, %add3A_42, %sign3A_95 : i32
      %sign3A_97 = arith.extui %sign3A_96 : i1 to i32
      %sign3A_98 = arith.subi %sign3A_94, %sign3A_97 : i32
      %sign3A_99 = arith.constant 0 : i32
      %sign3A_100 = arith.cmpi sgt, %jit3A, %sign3A_99 : i32
      %sign3A_101 = arith.extui %sign3A_100 : i1 to i32
      %sign3A_102 = arith.constant 0 : i32
      %sign3A_103 = arith.cmpi slt, %jit3A, %sign3A_102 : i32
      %sign3A_104 = arith.extui %sign3A_103 : i1 to i32
      %sign3A_105 = arith.subi %sign3A_101, %sign3A_104 : i32
      %ne3A = arith.cmpi ne, %sign3A_98, %sign3A_105 : i32
      %rem3A = arith.remsi %add3A_42, %jit3A : i32
      %ne3A_106 = arith.constant 0 : i32
      %ne3A_107 = arith.cmpi ne, %rem3A, %ne3A_106 : i32
      %and3A = arith.andi %ne3A, %ne3A_107 : i1
      %sub3A = arith.constant 1 : i32
      %sub3A_108 = arith.subi %div3A, %sub3A : i32
      %select_n3A = arith.select %and3A, %sub3A_108, %div3A : i32
      %swap3A = arith.index_cast %select_n3A : i32 to index
      %swap3A_109 = arith.constant 0 : index
      %swap3A_110 = tpu.vector_load %arg10[%swap3A, %swap3A_109] {strides = array<i32>} : memref<32x128xf32, #tpu.memory_space<vmem>>, vector<1x16xf32>,
      %swap3A_111 = vector.shape_cast %swap3A_110 : vector<1x16xf32> to vector<16xf32>
      %swap3A_112 = vector.shape_cast %scan3A_91#0 : vector<16xf32> to vector<1x16xf32>
      tpu.vector_store %arg10[%swap3A, %swap3A_109], %swap3A_112 {strides = array<i32>} : memref<32x128xf32, #tpu.memory_space<vmem>>, vector<1x16xf32>,
      %swap3A_113 = arith.index_cast %select_n3A : i32 to index
      %swap3A_114 = arith.constant 16 : index
      %swap3A_115 = tpu.vector_load %arg10[%swap3A_113, %swap3A_114] {strides = array<i32>} : memref<32x128xf32, #tpu.memory_space<vmem>>, vector<1x16xf32>,
      %swap3A_116 = vector.shape_cast %swap3A_115 : vector<1x16xf32> to vector<16xf32>
      %swap3A_117 = vector.shape_cast %scan3A_91#1 : vector<16xf32> to vector<1x16xf32>
      tpu.vector_store %arg10[%swap3A_113, %swap3A_114], %swap3A_117 {strides = array<i32>} : memref<32x128xf32, #tpu.memory_space<vmem>>, vector<1x16xf32>,
      %swap3A_118 = arith.index_cast %select_n3A : i32 to index
      %swap3A_119 = arith.constant 32 : index
      %swap3A_120 = tpu.vector_load %arg10[%swap3A_118, %swap3A_119] {strides = array<i32>} : memref<32x128xf32, #tpu.memory_space<vmem>>, vector<1x16xf32>,
      %swap3A_121 = vector.shape_cast %swap3A_120 : vector<1x16xf32> to vector<16xf32>
      %swap3A_122 = vector.shape_cast %scan3A_91#2 : vector<16xf32> to vector<1x16xf32>
      tpu.vector_store %arg10[%swap3A_118, %swap3A_119], %swap3A_122 {strides = array<i32>} : memref<32x128xf32, #tpu.memory_space<vmem>>, vector<1x16xf32>,
      %swap3A_123 = arith.index_cast %select_n3A : i32 to index
      %swap3A_124 = arith.constant 48 : index
      %swap3A_125 = tpu.vector_load %arg10[%swap3A_123, %swap3A_124] {strides = array<i32>} : memref<32x128xf32, #tpu.memory_space<vmem>>, vector<1x16xf32>,
      %swap3A_126 = vector.shape_cast %swap3A_125 : vector<1x16xf32> to vector<16xf32>
      %swap3A_127 = vector.shape_cast %scan3A_91#3 : vector<16xf32> to vector<1x16xf32>
      tpu.vector_store %arg10[%swap3A_123, %swap3A_124], %swap3A_127 {strides = array<i32>} : memref<32x128xf32, #tpu.memory_space<vmem>>, vector<1x16xf32>,
      %swap3A_128 = arith.index_cast %select_n3A : i32 to index
      %swap3A_129 = arith.constant 64 : index
      %swap3A_130 = tpu.vector_load %arg10[%swap3A_128, %swap3A_129] {strides = array<i32>} : memref<32x128xf32, #tpu.memory_space<vmem>>, vector<1x16xf32>,
      %swap3A_131 = vector.shape_cast %swap3A_130 : vector<1x16xf32> to vector<16xf32>
      %swap3A_132 = vector.shape_cast %scan3A_91#4 : vector<16xf32> to vector<1x16xf32>
      tpu.vector_store %arg10[%swap3A_128, %swap3A_129], %swap3A_132 {strides = array<i32>} : memref<32x128xf32, #tpu.memory_space<vmem>>, vector<1x16xf32>,
      %swap3A_133 = arith.index_cast %select_n3A : i32 to index
      %swap3A_134 = arith.constant 80 : index
      %swap3A_135 = tpu.vector_load %arg10[%swap3A_133, %swap3A_134] {strides = array<i32>} : memref<32x128xf32, #tpu.memory_space<vmem>>, vector<1x16xf32>,
      %swap3A_136 = vector.shape_cast %swap3A_135 : vector<1x16xf32> to vector<16xf32>
      %swap3A_137 = vector.shape_cast %scan3A_91#5 : vector<16xf32> to vector<1x16xf32>
      tpu.vector_store %arg10[%swap3A_133, %swap3A_134], %swap3A_137 {strides = array<i32>} : memref<32x128xf32, #tpu.memory_space<vmem>>, vector<1x16xf32>,
      %swap3A_138 = arith.index_cast %select_n3A : i32 to index
      %swap3A_139 = arith.constant 96 : index
      %swap3A_140 = tpu.vector_load %arg10[%swap3A_138, %swap3A_139] {strides = array<i32>} : memref<32x128xf32, #tpu.memory_space<vmem>>, vector<1x16xf32>,
      %swap3A_141 = vector.shape_cast %swap3A_140 : vector<1x16xf32> to vector<16xf32>
      %swap3A_142 = vector.shape_cast %scan3A_91#6 : vector<16xf32> to vector<1x16xf32>
      tpu.vector_store %arg10[%swap3A_138, %swap3A_139], %swap3A_142 {strides = array<i32>} : memref<32x128xf32, #tpu.memory_space<vmem>>, vector<1x16xf32>,
      %swap3A_143 = arith.index_cast %select_n3A : i32 to index
      %swap3A_144 = arith.constant 112 : index
      %swap3A_145 = tpu.vector_load %arg10[%swap3A_143, %swap3A_144] {strides = array<i32>} : memref<32x128xf32, #tpu.memory_space<vmem>>, vector<1x16xf32>,
      %swap3A_146 = vector.shape_cast %swap3A_145 : vector<1x16xf32> to vector<16xf32>
      %swap3A_147 = vector.shape_cast %scan3A_91#7 : vector<16xf32> to vector<1x16xf32>
      tpu.vector_store %arg10[%swap3A_143, %swap3A_144], %swap3A_147 {strides = array<i32>} : memref<32x128xf32, #tpu.memory_space<vmem>>, vector<1x16xf32>,
      %add3A_148 = arith.constant 0 : i32
      %add3A_149 = arith.addi %add3A_40, %add3A_148 : i32
      %add3A_150 = arith.constant 4 : i32
      %add3A_151 = arith.addi %add3A_149, %add3A_150 : i32
      %lt3A = arith.constant 64 : i32
      %lt3A_152 = arith.cmpi slt, %add3A_151, %lt3A : i32
      %convert_element_type3A = arith.extui %lt3A_152 : i1 to i32
      %cond3A = arith.constant 0 : i32
      %cond3A_153 = arith.cmpi ne, %convert_element_type3A, %cond3A : i32
      scf.if %cond3A_153 {
        %add3A_614 = arith.constant 0 : i32
        %add3A_615 = arith.addi %add3A_40, %add3A_614 : i32
        %add3A_616 = arith.constant 4 : i32
        %add3A_617 = arith.addi %add3A_615, %add3A_616 : i32
        %dma_start3A_618 = arith.constant 0 : i32
        %dma_start3A_619 = tpu.memref_slice %arg5[%add3A_617, %dma_start3A_618] : memref<64x100xi32, #tpu.memory_space<vmem>> -> memref<1x100xi32, #tpu.memory_space<vmem>>
        %dma_start3A_620 = tpu.memref_squeeze %dma_start3A_619 : memref<1x100xi32, #tpu.memory_space<vmem>> -> memref<100xi32, #tpu.memory_space<vmem>>
        %dma_start3A_621 = arith.constant 0 : i32
        %dma_start3A_622 = arith.constant 0 : i32
        %dma_start3A_623 = tpu.memref_slice %arg3[%dma_start3A_621, %dma_start3A_622] : memref<1000000x128xf32, #tpu.memory_space<hbm>> -> memref<1000000x128xf32, #tpu.memory_space<hbm>>
        tpu.enqueue_indirect_dma source(%dma_start3A_623 : memref<1000000x128xf32, #tpu.memory_space<hbm>>) target(%arg6 : memref<100x128xf32, #tpu.memory_space<vmem>>) offsets(%dma_start3A_620 : memref<100xi32, #tpu.memory_space<vmem>>) semaphore(%arg11 : memref<!tpu.dma_semaphore, #tpu.memory_space<semaphore_mem>>)
      } else {
      }
      %add3A_154 = arith.constant 1 : i32
      %add3A_155 = arith.addi %add3A_40, %add3A_154 : i32
      %dma_wait3A_156 = arith.constant 0 : i32
      %dma_wait3A_157 = tpu.memref_slice %arg5[%add3A_155, %dma_wait3A_156] : memref<64x100xi32, #tpu.memory_space<vmem>> -> memref<1x100xi32, #tpu.memory_space<vmem>>
      %dma_wait3A_158 = tpu.memref_squeeze %dma_wait3A_157 : memref<1x100xi32, #tpu.memory_space<vmem>> -> memref<100xi32, #tpu.memory_space<vmem>>
      %dma_wait3A_159 = arith.constant 0 : i32
      %dma_wait3A_160 = arith.constant 0 : i32
      %dma_wait3A_161 = tpu.memref_slice %arg3[%dma_wait3A_159, %dma_wait3A_160] : memref<1000000x128xf32, #tpu.memory_space<hbm>> -> memref<1000000x128xf32, #tpu.memory_space<hbm>>
      tpu.wait_indirect_dma semaphore(%arg12 : memref<!tpu.dma_semaphore, #tpu.memory_space<semaphore_mem>>) src(%dma_wait3A_161 : memref<1000000x128xf32, #tpu.memory_space<hbm>>) dst(%arg7 : memref<100x128xf32, #tpu.memory_space<vmem>>)
      %get3A_162 = arith.constant 0 : i32
      %get3A_163 = arith.index_cast %get3A_162 : i32 to index
      %get3A_164 = arith.constant 0 : index
      %get3A_165 = tpu.vector_load %arg7[%get3A_163, %get3A_164] {strides = array<i32>} : memref<100x128xf32, #tpu.memory_space<vmem>>, vector<1x16xf32>,
      %get3A_166 = vector.shape_cast %get3A_165 : vector<1x16xf32> to vector<16xf32>
      %get3A_167 = arith.constant 0 : i32
      %get3A_168 = arith.index_cast %get3A_167 : i32 to index
      %get3A_169 = arith.constant 16 : index
      %get3A_170 = tpu.vector_load %arg7[%get3A_168, %get3A_169] {strides = array<i32>} : memref<100x128xf32, #tpu.memory_space<vmem>>, vector<1x16xf32>,
      %get3A_171 = vector.shape_cast %get3A_170 : vector<1x16xf32> to vector<16xf32>
      %get3A_172 = arith.constant 0 : i32
      %get3A_173 = arith.index_cast %get3A_172 : i32 to index
      %get3A_174 = arith.constant 32 : index
      %get3A_175 = tpu.vector_load %arg7[%get3A_173, %get3A_174] {strides = array<i32>} : memref<100x128xf32, #tpu.memory_space<vmem>>, vector<1x16xf32>,
      %get3A_176 = vector.shape_cast %get3A_175 : vector<1x16xf32> to vector<16xf32>
      %get3A_177 = arith.constant 0 : i32
      %get3A_178 = arith.index_cast %get3A_177 : i32 to index
      %get3A_179 = arith.constant 48 : index
      %get3A_180 = tpu.vector_load %arg7[%get3A_178, %get3A_179] {strides = array<i32>} : memref<100x128xf32, #tpu.memory_space<vmem>>, vector<1x16xf32>,
      %get3A_181 = vector.shape_cast %get3A_180 : vector<1x16xf32> to vector<16xf32>
      %get3A_182 = arith.constant 0 : i32
      %get3A_183 = arith.index_cast %get3A_182 : i32 to index
      %get3A_184 = arith.constant 64 : index
      %get3A_185 = tpu.vector_load %arg7[%get3A_183, %get3A_184] {strides = array<i32>} : memref<100x128xf32, #tpu.memory_space<vmem>>, vector<1x16xf32>,
      %get3A_186 = vector.shape_cast %get3A_185 : vector<1x16xf32> to vector<16xf32>
      %get3A_187 = arith.constant 0 : i32
      %get3A_188 = arith.index_cast %get3A_187 : i32 to index
      %get3A_189 = arith.constant 80 : index
      %get3A_190 = tpu.vector_load %arg7[%get3A_188, %get3A_189] {strides = array<i32>} : memref<100x128xf32, #tpu.memory_space<vmem>>, vector<1x16xf32>,
      %get3A_191 = vector.shape_cast %get3A_190 : vector<1x16xf32> to vector<16xf32>
      %get3A_192 = arith.constant 0 : i32
      %get3A_193 = arith.index_cast %get3A_192 : i32 to index
      %get3A_194 = arith.constant 96 : index
      %get3A_195 = tpu.vector_load %arg7[%get3A_193, %get3A_194] {strides = array<i32>} : memref<100x128xf32, #tpu.memory_space<vmem>>, vector<1x16xf32>,
      %get3A_196 = vector.shape_cast %get3A_195 : vector<1x16xf32> to vector<16xf32>
      %get3A_197 = arith.constant 0 : i32
      %get3A_198 = arith.index_cast %get3A_197 : i32 to index
      %get3A_199 = arith.constant 112 : index
      %get3A_200 = tpu.vector_load %arg7[%get3A_198, %get3A_199] {strides = array<i32>} : memref<100x128xf32, #tpu.memory_space<vmem>>, vector<1x16xf32>,
      %get3A_201 = vector.shape_cast %get3A_200 : vector<1x16xf32> to vector<16xf32>
      %scan3A_202 = arith.constant 1 : i32
      %scan3A_203 = arith.constant 99 : i32
      %scan3A_204 = arith.addi %scan3A_202, %scan3A_203 : i32
      %scan3A_205 = arith.constant 3 : i32
      %scan3A_206:8 = scf.for %scan3A_614 = %scan3A_202 to %scan3A_204 step %scan3A_205 iter_args(%scan3A_615 = %get3A_166, %scan3A_616 = %get3A_171, %scan3A_617 = %get3A_176, %scan3A_618 = %get3A_181, %scan3A_619 = %get3A_186, %scan3A_620 = %get3A_191, %scan3A_621 = %get3A_196, %scan3A_622 = %get3A_201) -> (vector<16xf32>, vector<16xf32>, vector<16xf32>, vector<16xf32>, vector<16xf32>, vector<16xf32>, vector<16xf32>, vector<16xf32>)  : i32 {
        %get3A_623 = arith.index_cast %scan3A_614 : i32 to index
        %get3A_624 = arith.constant 0 : index
        %get3A_625 = tpu.vector_load %arg7[%get3A_623, %get3A_624] {strides = array<i32>} : memref<100x128xf32, #tpu.memory_space<vmem>>, vector<1x16xf32>,
        %get3A_626 = vector.shape_cast %get3A_625 : vector<1x16xf32> to vector<16xf32>
        %max3A_627 = arith.maximumf %scan3A_615, %get3A_626 : vector<16xf32>
        %get3A_628 = arith.index_cast %scan3A_614 : i32 to index
        %get3A_629 = arith.constant 16 : index
        %get3A_630 = tpu.vector_load %arg7[%get3A_628, %get3A_629] {strides = array<i32>} : memref<100x128xf32, #tpu.memory_space<vmem>>, vector<1x16xf32>,
        %get3A_631 = vector.shape_cast %get3A_630 : vector<1x16xf32> to vector<16xf32>
        %max3A_632 = arith.maximumf %scan3A_616, %get3A_631 : vector<16xf32>
        %get3A_633 = arith.index_cast %scan3A_614 : i32 to index
        %get3A_634 = arith.constant 32 : index
        %get3A_635 = tpu.vector_load %arg7[%get3A_633, %get3A_634] {strides = array<i32>} : memref<100x128xf32, #tpu.memory_space<vmem>>, vector<1x16xf32>,
        %get3A_636 = vector.shape_cast %get3A_635 : vector<1x16xf32> to vector<16xf32>
        %max3A_637 = arith.maximumf %scan3A_617, %get3A_636 : vector<16xf32>
        %get3A_638 = arith.index_cast %scan3A_614 : i32 to index
        %get3A_639 = arith.constant 48 : index
        %get3A_640 = tpu.vector_load %arg7[%get3A_638, %get3A_639] {strides = array<i32>} : memref<100x128xf32, #tpu.memory_space<vmem>>, vector<1x16xf32>,
        %get3A_641 = vector.shape_cast %get3A_640 : vector<1x16xf32> to vector<16xf32>
        %max3A_642 = arith.maximumf %scan3A_618, %get3A_641 : vector<16xf32>
        %get3A_643 = arith.index_cast %scan3A_614 : i32 to index
        %get3A_644 = arith.constant 64 : index
        %get3A_645 = tpu.vector_load %arg7[%get3A_643, %get3A_644] {strides = array<i32>} : memref<100x128xf32, #tpu.memory_space<vmem>>, vector<1x16xf32>,
        %get3A_646 = vector.shape_cast %get3A_645 : vector<1x16xf32> to vector<16xf32>
        %max3A_647 = arith.maximumf %scan3A_619, %get3A_646 : vector<16xf32>
        %get3A_648 = arith.index_cast %scan3A_614 : i32 to index
        %get3A_649 = arith.constant 80 : index
        %get3A_650 = tpu.vector_load %arg7[%get3A_648, %get3A_649] {strides = array<i32>} : memref<100x128xf32, #tpu.memory_space<vmem>>, vector<1x16xf32>,
        %get3A_651 = vector.shape_cast %get3A_650 : vector<1x16xf32> to vector<16xf32>
        %max3A_652 = arith.maximumf %scan3A_620, %get3A_651 : vector<16xf32>
        %get3A_653 = arith.index_cast %scan3A_614 : i32 to index
        %get3A_654 = arith.constant 96 : index
        %get3A_655 = tpu.vector_load %arg7[%get3A_653, %get3A_654] {strides = array<i32>} : memref<100x128xf32, #tpu.memory_space<vmem>>, vector<1x16xf32>,
        %get3A_656 = vector.shape_cast %get3A_655 : vector<1x16xf32> to vector<16xf32>
        %max3A_657 = arith.maximumf %scan3A_621, %get3A_656 : vector<16xf32>
        %get3A_658 = arith.index_cast %scan3A_614 : i32 to index
        %get3A_659 = arith.constant 112 : index
        %get3A_660 = tpu.vector_load %arg7[%get3A_658, %get3A_659] {strides = array<i32>} : memref<100x128xf32, #tpu.memory_space<vmem>>, vector<1x16xf32>,
        %get3A_661 = vector.shape_cast %get3A_660 : vector<1x16xf32> to vector<16xf32>
        %max3A_662 = arith.maximumf %scan3A_622, %get3A_661 : vector<16xf32>
        %scan3A_663 = arith.constant 1 : i32
        %scan3A_664 = arith.addi %scan3A_614, %scan3A_663 : i32
        %get3A_665 = arith.index_cast %scan3A_664 : i32 to index
        %get3A_666 = arith.constant 0 : index
        %get3A_667 = tpu.vector_load %arg7[%get3A_665, %get3A_666] {strides = array<i32>} : memref<100x128xf32, #tpu.memory_space<vmem>>, vector<1x16xf32>,
        %get3A_668 = vector.shape_cast %get3A_667 : vector<1x16xf32> to vector<16xf32>
        %max3A_669 = arith.maximumf %max3A_627, %get3A_668 : vector<16xf32>
        %get3A_670 = arith.index_cast %scan3A_664 : i32 to index
        %get3A_671 = arith.constant 16 : index
        %get3A_672 = tpu.vector_load %arg7[%get3A_670, %get3A_671] {strides = array<i32>} : memref<100x128xf32, #tpu.memory_space<vmem>>, vector<1x16xf32>,
        %get3A_673 = vector.shape_cast %get3A_672 : vector<1x16xf32> to vector<16xf32>
        %max3A_674 = arith.maximumf %max3A_632, %get3A_673 : vector<16xf32>
        %get3A_675 = arith.index_cast %scan3A_664 : i32 to index
        %get3A_676 = arith.constant 32 : index
        %get3A_677 = tpu.vector_load %arg7[%get3A_675, %get3A_676] {strides = array<i32>} : memref<100x128xf32, #tpu.memory_space<vmem>>, vector<1x16xf32>,
        %get3A_678 = vector.shape_cast %get3A_677 : vector<1x16xf32> to vector<16xf32>
        %max3A_679 = arith.maximumf %max3A_637, %get3A_678 : vector<16xf32>
        %get3A_680 = arith.index_cast %scan3A_664 : i32 to index
        %get3A_681 = arith.constant 48 : index
        %get3A_682 = tpu.vector_load %arg7[%get3A_680, %get3A_681] {strides = array<i32>} : memref<100x128xf32, #tpu.memory_space<vmem>>, vector<1x16xf32>,
        %get3A_683 = vector.shape_cast %get3A_682 : vector<1x16xf32> to vector<16xf32>
        %max3A_684 = arith.maximumf %max3A_642, %get3A_683 : vector<16xf32>
        %get3A_685 = arith.index_cast %scan3A_664 : i32 to index
        %get3A_686 = arith.constant 64 : index
        %get3A_687 = tpu.vector_load %arg7[%get3A_685, %get3A_686] {strides = array<i32>} : memref<100x128xf32, #tpu.memory_space<vmem>>, vector<1x16xf32>,
        %get3A_688 = vector.shape_cast %get3A_687 : vector<1x16xf32> to vector<16xf32>
        %max3A_689 = arith.maximumf %max3A_647, %get3A_688 : vector<16xf32>
        %get3A_690 = arith.index_cast %scan3A_664 : i32 to index
        %get3A_691 = arith.constant 80 : index
        %get3A_692 = tpu.vector_load %arg7[%get3A_690, %get3A_691] {strides = array<i32>} : memref<100x128xf32, #tpu.memory_space<vmem>>, vector<1x16xf32>,
        %get3A_693 = vector.shape_cast %get3A_692 : vector<1x16xf32> to vector<16xf32>
        %max3A_694 = arith.maximumf %max3A_652, %get3A_693 : vector<16xf32>
        %get3A_695 = arith.index_cast %scan3A_664 : i32 to index
        %get3A_696 = arith.constant 96 : index
        %get3A_697 = tpu.vector_load %arg7[%get3A_695, %get3A_696] {strides = array<i32>} : memref<100x128xf32, #tpu.memory_space<vmem>>, vector<1x16xf32>,
        %get3A_698 = vector.shape_cast %get3A_697 : vector<1x16xf32> to vector<16xf32>
        %max3A_699 = arith.maximumf %max3A_657, %get3A_698 : vector<16xf32>
        %get3A_700 = arith.index_cast %scan3A_664 : i32 to index
        %get3A_701 = arith.constant 112 : index
        %get3A_702 = tpu.vector_load %arg7[%get3A_700, %get3A_701] {strides = array<i32>} : memref<100x128xf32, #tpu.memory_space<vmem>>, vector<1x16xf32>,
        %get3A_703 = vector.shape_cast %get3A_702 : vector<1x16xf32> to vector<16xf32>
        %max3A_704 = arith.maximumf %max3A_662, %get3A_703 : vector<16xf32>
        %scan3A_705 = arith.constant 2 : i32
        %scan3A_706 = arith.addi %scan3A_614, %scan3A_705 : i32
        %get3A_707 = arith.index_cast %scan3A_706 : i32 to index
        %get3A_708 = arith.constant 0 : index
        %get3A_709 = tpu.vector_load %arg7[%get3A_707, %get3A_708] {strides = array<i32>} : memref<100x128xf32, #tpu.memory_space<vmem>>, vector<1x16xf32>,
        %get3A_710 = vector.shape_cast %get3A_709 : vector<1x16xf32> to vector<16xf32>
        %max3A_711 = arith.maximumf %max3A_669, %get3A_710 : vector<16xf32>
        %get3A_712 = arith.index_cast %scan3A_706 : i32 to index
        %get3A_713 = arith.constant 16 : index
        %get3A_714 = tpu.vector_load %arg7[%get3A_712, %get3A_713] {strides = array<i32>} : memref<100x128xf32, #tpu.memory_space<vmem>>, vector<1x16xf32>,
        %get3A_715 = vector.shape_cast %get3A_714 : vector<1x16xf32> to vector<16xf32>
        %max3A_716 = arith.maximumf %max3A_674, %get3A_715 : vector<16xf32>
        %get3A_717 = arith.index_cast %scan3A_706 : i32 to index
        %get3A_718 = arith.constant 32 : index
        %get3A_719 = tpu.vector_load %arg7[%get3A_717, %get3A_718] {strides = array<i32>} : memref<100x128xf32, #tpu.memory_space<vmem>>, vector<1x16xf32>,
        %get3A_720 = vector.shape_cast %get3A_719 : vector<1x16xf32> to vector<16xf32>
        %max3A_721 = arith.maximumf %max3A_679, %get3A_720 : vector<16xf32>
        %get3A_722 = arith.index_cast %scan3A_706 : i32 to index
        %get3A_723 = arith.constant 48 : index
        %get3A_724 = tpu.vector_load %arg7[%get3A_722, %get3A_723] {strides = array<i32>} : memref<100x128xf32, #tpu.memory_space<vmem>>, vector<1x16xf32>,
        %get3A_725 = vector.shape_cast %get3A_724 : vector<1x16xf32> to vector<16xf32>
        %max3A_726 = arith.maximumf %max3A_684, %get3A_725 : vector<16xf32>
        %get3A_727 = arith.index_cast %scan3A_706 : i32 to index
        %get3A_728 = arith.constant 64 : index
        %get3A_729 = tpu.vector_load %arg7[%get3A_727, %get3A_728] {strides = array<i32>} : memref<100x128xf32, #tpu.memory_space<vmem>>, vector<1x16xf32>,
        %get3A_730 = vector.shape_cast %get3A_729 : vector<1x16xf32> to vector<16xf32>
        %max3A_731 = arith.maximumf %max3A_689, %get3A_730 : vector<16xf32>
        %get3A_732 = arith.index_cast %scan3A_706 : i32 to index
        %get3A_733 = arith.constant 80 : index
        %get3A_734 = tpu.vector_load %arg7[%get3A_732, %get3A_733] {strides = array<i32>} : memref<100x128xf32, #tpu.memory_space<vmem>>, vector<1x16xf32>,
        %get3A_735 = vector.shape_cast %get3A_734 : vector<1x16xf32> to vector<16xf32>
        %max3A_736 = arith.maximumf %max3A_694, %get3A_735 : vector<16xf32>
        %get3A_737 = arith.index_cast %scan3A_706 : i32 to index
        %get3A_738 = arith.constant 96 : index
        %get3A_739 = tpu.vector_load %arg7[%get3A_737, %get3A_738] {strides = array<i32>} : memref<100x128xf32, #tpu.memory_space<vmem>>, vector<1x16xf32>,
        %get3A_740 = vector.shape_cast %get3A_739 : vector<1x16xf32> to vector<16xf32>
        %max3A_741 = arith.maximumf %max3A_699, %get3A_740 : vector<16xf32>
        %get3A_742 = arith.index_cast %scan3A_706 : i32 to index
        %get3A_743 = arith.constant 112 : index
        %get3A_744 = tpu.vector_load %arg7[%get3A_742, %get3A_743] {strides = array<i32>} : memref<100x128xf32, #tpu.memory_space<vmem>>, vector<1x16xf32>,
        %get3A_745 = vector.shape_cast %get3A_744 : vector<1x16xf32> to vector<16xf32>
        %max3A_746 = arith.maximumf %max3A_704, %get3A_745 : vector<16xf32>
        scf.yield %max3A_711, %max3A_716, %max3A_721, %max3A_726, %max3A_731, %max3A_736, %max3A_741, %max3A_746 : vector<16xf32>, vector<16xf32>, vector<16xf32>, vector<16xf32>, vector<16xf32>, vector<16xf32>, vector<16xf32>, vector<16xf32>
      }
      %scan3A_207 = arith.constant 99 : i32
      %jit3A_208 = arith.constant 2 : i32
      %div3A_209 = arith.divsi %add3A_155, %jit3A_208 : i32
      %sign3A_210 = arith.constant 0 : i32
      %sign3A_211 = arith.cmpi sgt, %add3A_155, %sign3A_210 : i32
      %sign3A_212 = arith.extui %sign3A_211 : i1 to i32
      %sign3A_213 = arith.constant 0 : i32
      %sign3A_214 = arith.cmpi slt, %add3A_155, %sign3A_213 : i32
      %sign3A_215 = arith.extui %sign3A_214 : i1 to i32
      %sign3A_216 = arith.subi %sign3A_212, %sign3A_215 : i32
      %sign3A_217 = arith.constant 0 : i32
      %sign3A_218 = arith.cmpi sgt, %jit3A_208, %sign3A_217 : i32
      %sign3A_219 = arith.extui %sign3A_218 : i1 to i32
      %sign3A_220 = arith.constant 0 : i32
      %sign3A_221 = arith.cmpi slt, %jit3A_208, %sign3A_220 : i32
      %sign3A_222 = arith.extui %sign3A_221 : i1 to i32
      %sign3A_223 = arith.subi %sign3A_219, %sign3A_222 : i32
      %ne3A_224 = arith.cmpi ne, %sign3A_216, %sign3A_223 : i32
      %rem3A_225 = arith.remsi %add3A_155, %jit3A_208 : i32
      %ne3A_226 = arith.constant 0 : i32
      %ne3A_227 = arith.cmpi ne, %rem3A_225, %ne3A_226 : i32
      %and3A_228 = arith.andi %ne3A_224, %ne3A_227 : i1
      %sub3A_229 = arith.constant 1 : i32
      %sub3A_230 = arith.subi %div3A_209, %sub3A_229 : i32
      %select_n3A_231 = arith.select %and3A_228, %sub3A_230, %div3A_209 : i32
      %get3A_232 = arith.index_cast %select_n3A_231 : i32 to index
      %get3A_233 = arith.constant 0 : index
      %get3A_234 = tpu.vector_load %arg10[%get3A_232, %get3A_233] {strides = array<i32>} : memref<32x128xf32, #tpu.memory_space<vmem>>, vector<1x16xf32>,
      %get3A_235 = vector.shape_cast %get3A_234 : vector<1x16xf32> to vector<16xf32>
      %max3A = arith.maximumf %get3A_235, %scan3A_206#0 : vector<16xf32>
      %swap3A_236 = arith.index_cast %select_n3A_231 : i32 to index
      %swap3A_237 = arith.constant 0 : index
      %swap3A_238 = tpu.vector_load %arg10[%swap3A_236, %swap3A_237] {strides = array<i32>} : memref<32x128xf32, #tpu.memory_space<vmem>>, vector<1x16xf32>,
      %swap3A_239 = vector.shape_cast %swap3A_238 : vector<1x16xf32> to vector<16xf32>
      %swap3A_240 = vector.shape_cast %max3A : vector<16xf32> to vector<1x16xf32>
      tpu.vector_store %arg10[%swap3A_236, %swap3A_237], %swap3A_240 {strides = array<i32>} : memref<32x128xf32, #tpu.memory_space<vmem>>, vector<1x16xf32>,
      %get3A_241 = arith.index_cast %select_n3A_231 : i32 to index
      %get3A_242 = arith.constant 16 : index
      %get3A_243 = tpu.vector_load %arg10[%get3A_241, %get3A_242] {strides = array<i32>} : memref<32x128xf32, #tpu.memory_space<vmem>>, vector<1x16xf32>,
      %get3A_244 = vector.shape_cast %get3A_243 : vector<1x16xf32> to vector<16xf32>
      %max3A_245 = arith.maximumf %get3A_244, %scan3A_206#1 : vector<16xf32>
      %swap3A_246 = arith.index_cast %select_n3A_231 : i32 to index
      %swap3A_247 = arith.constant 16 : index
      %swap3A_248 = tpu.vector_load %arg10[%swap3A_246, %swap3A_247] {strides = array<i32>} : memref<32x128xf32, #tpu.memory_space<vmem>>, vector<1x16xf32>,
      %swap3A_249 = vector.shape_cast %swap3A_248 : vector<1x16xf32> to vector<16xf32>
      %swap3A_250 = vector.shape_cast %max3A_245 : vector<16xf32> to vector<1x16xf32>
      tpu.vector_store %arg10[%swap3A_246, %swap3A_247], %swap3A_250 {strides = array<i32>} : memref<32x128xf32, #tpu.memory_space<vmem>>, vector<1x16xf32>,
      %get3A_251 = arith.index_cast %select_n3A_231 : i32 to index
      %get3A_252 = arith.constant 32 : index
      %get3A_253 = tpu.vector_load %arg10[%get3A_251, %get3A_252] {strides = array<i32>} : memref<32x128xf32, #tpu.memory_space<vmem>>, vector<1x16xf32>,
      %get3A_254 = vector.shape_cast %get3A_253 : vector<1x16xf32> to vector<16xf32>
      %max3A_255 = arith.maximumf %get3A_254, %scan3A_206#2 : vector<16xf32>
      %swap3A_256 = arith.index_cast %select_n3A_231 : i32 to index
      %swap3A_257 = arith.constant 32 : index
      %swap3A_258 = tpu.vector_load %arg10[%swap3A_256, %swap3A_257] {strides = array<i32>} : memref<32x128xf32, #tpu.memory_space<vmem>>, vector<1x16xf32>,
      %swap3A_259 = vector.shape_cast %swap3A_258 : vector<1x16xf32> to vector<16xf32>
      %swap3A_260 = vector.shape_cast %max3A_255 : vector<16xf32> to vector<1x16xf32>
      tpu.vector_store %arg10[%swap3A_256, %swap3A_257], %swap3A_260 {strides = array<i32>} : memref<32x128xf32, #tpu.memory_space<vmem>>, vector<1x16xf32>,
      %get3A_261 = arith.index_cast %select_n3A_231 : i32 to index
      %get3A_262 = arith.constant 48 : index
      %get3A_263 = tpu.vector_load %arg10[%get3A_261, %get3A_262] {strides = array<i32>} : memref<32x128xf32, #tpu.memory_space<vmem>>, vector<1x16xf32>,
      %get3A_264 = vector.shape_cast %get3A_263 : vector<1x16xf32> to vector<16xf32>
      %max3A_265 = arith.maximumf %get3A_264, %scan3A_206#3 : vector<16xf32>
      %swap3A_266 = arith.index_cast %select_n3A_231 : i32 to index
      %swap3A_267 = arith.constant 48 : index
      %swap3A_268 = tpu.vector_load %arg10[%swap3A_266, %swap3A_267] {strides = array<i32>} : memref<32x128xf32, #tpu.memory_space<vmem>>, vector<1x16xf32>,
      %swap3A_269 = vector.shape_cast %swap3A_268 : vector<1x16xf32> to vector<16xf32>
      %swap3A_270 = vector.shape_cast %max3A_265 : vector<16xf32> to vector<1x16xf32>
      tpu.vector_store %arg10[%swap3A_266, %swap3A_267], %swap3A_270 {strides = array<i32>} : memref<32x128xf32, #tpu.memory_space<vmem>>, vector<1x16xf32>,
      %get3A_271 = arith.index_cast %select_n3A_231 : i32 to index
      %get3A_272 = arith.constant 64 : index
      %get3A_273 = tpu.vector_load %arg10[%get3A_271, %get3A_272] {strides = array<i32>} : memref<32x128xf32, #tpu.memory_space<vmem>>, vector<1x16xf32>,
      %get3A_274 = vector.shape_cast %get3A_273 : vector<1x16xf32> to vector<16xf32>
      %max3A_275 = arith.maximumf %get3A_274, %scan3A_206#4 : vector<16xf32>
      %swap3A_276 = arith.index_cast %select_n3A_231 : i32 to index
      %swap3A_277 = arith.constant 64 : index
      %swap3A_278 = tpu.vector_load %arg10[%swap3A_276, %swap3A_277] {strides = array<i32>} : memref<32x128xf32, #tpu.memory_space<vmem>>, vector<1x16xf32>,
      %swap3A_279 = vector.shape_cast %swap3A_278 : vector<1x16xf32> to vector<16xf32>
      %swap3A_280 = vector.shape_cast %max3A_275 : vector<16xf32> to vector<1x16xf32>
      tpu.vector_store %arg10[%swap3A_276, %swap3A_277], %swap3A_280 {strides = array<i32>} : memref<32x128xf32, #tpu.memory_space<vmem>>, vector<1x16xf32>,
      %get3A_281 = arith.index_cast %select_n3A_231 : i32 to index
      %get3A_282 = arith.constant 80 : index
      %get3A_283 = tpu.vector_load %arg10[%get3A_281, %get3A_282] {strides = array<i32>} : memref<32x128xf32, #tpu.memory_space<vmem>>, vector<1x16xf32>,
      %get3A_284 = vector.shape_cast %get3A_283 : vector<1x16xf32> to vector<16xf32>
      %max3A_285 = arith.maximumf %get3A_284, %scan3A_206#5 : vector<16xf32>
      %swap3A_286 = arith.index_cast %select_n3A_231 : i32 to index
      %swap3A_287 = arith.constant 80 : index
      %swap3A_288 = tpu.vector_load %arg10[%swap3A_286, %swap3A_287] {strides = array<i32>} : memref<32x128xf32, #tpu.memory_space<vmem>>, vector<1x16xf32>,
      %swap3A_289 = vector.shape_cast %swap3A_288 : vector<1x16xf32> to vector<16xf32>
      %swap3A_290 = vector.shape_cast %max3A_285 : vector<16xf32> to vector<1x16xf32>
      tpu.vector_store %arg10[%swap3A_286, %swap3A_287], %swap3A_290 {strides = array<i32>} : memref<32x128xf32, #tpu.memory_space<vmem>>, vector<1x16xf32>,
      %get3A_291 = arith.index_cast %select_n3A_231 : i32 to index
      %get3A_292 = arith.constant 96 : index
      %get3A_293 = tpu.vector_load %arg10[%get3A_291, %get3A_292] {strides = array<i32>} : memref<32x128xf32, #tpu.memory_space<vmem>>, vector<1x16xf32>,
      %get3A_294 = vector.shape_cast %get3A_293 : vector<1x16xf32> to vector<16xf32>
      %max3A_295 = arith.maximumf %get3A_294, %scan3A_206#6 : vector<16xf32>
      %swap3A_296 = arith.index_cast %select_n3A_231 : i32 to index
      %swap3A_297 = arith.constant 96 : index
      %swap3A_298 = tpu.vector_load %arg10[%swap3A_296, %swap3A_297] {strides = array<i32>} : memref<32x128xf32, #tpu.memory_space<vmem>>, vector<1x16xf32>,
      %swap3A_299 = vector.shape_cast %swap3A_298 : vector<1x16xf32> to vector<16xf32>
      %swap3A_300 = vector.shape_cast %max3A_295 : vector<16xf32> to vector<1x16xf32>
      tpu.vector_store %arg10[%swap3A_296, %swap3A_297], %swap3A_300 {strides = array<i32>} : memref<32x128xf32, #tpu.memory_space<vmem>>, vector<1x16xf32>,
      %get3A_301 = arith.index_cast %select_n3A_231 : i32 to index
      %get3A_302 = arith.constant 112 : index
      %get3A_303 = tpu.vector_load %arg10[%get3A_301, %get3A_302] {strides = array<i32>} : memref<32x128xf32, #tpu.memory_space<vmem>>, vector<1x16xf32>,
      %get3A_304 = vector.shape_cast %get3A_303 : vector<1x16xf32> to vector<16xf32>
      %max3A_305 = arith.maximumf %get3A_304, %scan3A_206#7 : vector<16xf32>
      %swap3A_306 = arith.index_cast %select_n3A_231 : i32 to index
      %swap3A_307 = arith.constant 112 : index
      %swap3A_308 = tpu.vector_load %arg10[%swap3A_306, %swap3A_307] {strides = array<i32>} : memref<32x128xf32, #tpu.memory_space<vmem>>, vector<1x16xf32>,
      %swap3A_309 = vector.shape_cast %swap3A_308 : vector<1x16xf32> to vector<16xf32>
      %swap3A_310 = vector.shape_cast %max3A_305 : vector<16xf32> to vector<1x16xf32>
      tpu.vector_store %arg10[%swap3A_306, %swap3A_307], %swap3A_310 {strides = array<i32>} : memref<32x128xf32, #tpu.memory_space<vmem>>, vector<1x16xf32>,
      %add3A_311 = arith.constant 1 : i32
      %add3A_312 = arith.addi %add3A_40, %add3A_311 : i32
      %add3A_313 = arith.constant 4 : i32
      %add3A_314 = arith.addi %add3A_312, %add3A_313 : i32
      %lt3A_315 = arith.constant 64 : i32
      %lt3A_316 = arith.cmpi slt, %add3A_314, %lt3A_315 : i32
      %convert_element_type3A_317 = arith.extui %lt3A_316 : i1 to i32
      %cond3A_318 = arith.constant 0 : i32
      %cond3A_319 = arith.cmpi ne, %convert_element_type3A_317, %cond3A_318 : i32
      scf.if %cond3A_319 {
        %add3A_614 = arith.constant 1 : i32
        %add3A_615 = arith.addi %add3A_40, %add3A_614 : i32
        %add3A_616 = arith.constant 4 : i32
        %add3A_617 = arith.addi %add3A_615, %add3A_616 : i32
        %dma_start3A_618 = arith.constant 0 : i32
        %dma_start3A_619 = tpu.memref_slice %arg5[%add3A_617, %dma_start3A_618] : memref<64x100xi32, #tpu.memory_space<vmem>> -> memref<1x100xi32, #tpu.memory_space<vmem>>
        %dma_start3A_620 = tpu.memref_squeeze %dma_start3A_619 : memref<1x100xi32, #tpu.memory_space<vmem>> -> memref<100xi32, #tpu.memory_space<vmem>>
        %dma_start3A_621 = arith.constant 0 : i32
        %dma_start3A_622 = arith.constant 0 : i32
        %dma_start3A_623 = tpu.memref_slice %arg3[%dma_start3A_621, %dma_start3A_622] : memref<1000000x128xf32, #tpu.memory_space<hbm>> -> memref<1000000x128xf32, #tpu.memory_space<hbm>>
        tpu.enqueue_indirect_dma source(%dma_start3A_623 : memref<1000000x128xf32, #tpu.memory_space<hbm>>) target(%arg7 : memref<100x128xf32, #tpu.memory_space<vmem>>) offsets(%dma_start3A_620 : memref<100xi32, #tpu.memory_space<vmem>>) semaphore(%arg12 : memref<!tpu.dma_semaphore, #tpu.memory_space<semaphore_mem>>)
      } else {
      }
      %add3A_320 = arith.constant 2 : i32
      %add3A_321 = arith.addi %add3A_40, %add3A_320 : i32
      %dma_wait3A_322 = arith.constant 0 : i32
      %dma_wait3A_323 = tpu.memref_slice %arg5[%add3A_321, %dma_wait3A_322] : memref<64x100xi32, #tpu.memory_space<vmem>> -> memref<1x100xi32, #tpu.memory_space<vmem>>
      %dma_wait3A_324 = tpu.memref_squeeze %dma_wait3A_323 : memref<1x100xi32, #tpu.memory_space<vmem>> -> memref<100xi32, #tpu.memory_space<vmem>>
      %dma_wait3A_325 = arith.constant 0 : i32
      %dma_wait3A_326 = arith.constant 0 : i32
      %dma_wait3A_327 = tpu.memref_slice %arg3[%dma_wait3A_325, %dma_wait3A_326] : memref<1000000x128xf32, #tpu.memory_space<hbm>> -> memref<1000000x128xf32, #tpu.memory_space<hbm>>
      tpu.wait_indirect_dma semaphore(%arg13 : memref<!tpu.dma_semaphore, #tpu.memory_space<semaphore_mem>>) src(%dma_wait3A_327 : memref<1000000x128xf32, #tpu.memory_space<hbm>>) dst(%arg8 : memref<100x128xf32, #tpu.memory_space<vmem>>)
      %get3A_328 = arith.constant 0 : i32
      %get3A_329 = arith.index_cast %get3A_328 : i32 to index
      %get3A_330 = arith.constant 0 : index
      %get3A_331 = tpu.vector_load %arg8[%get3A_329, %get3A_330] {strides = array<i32>} : memref<100x128xf32, #tpu.memory_space<vmem>>, vector<1x16xf32>,
      %get3A_332 = vector.shape_cast %get3A_331 : vector<1x16xf32> to vector<16xf32>
      %get3A_333 = arith.constant 0 : i32
      %get3A_334 = arith.index_cast %get3A_333 : i32 to index
      %get3A_335 = arith.constant 16 : index
      %get3A_336 = tpu.vector_load %arg8[%get3A_334, %get3A_335] {strides = array<i32>} : memref<100x128xf32, #tpu.memory_space<vmem>>, vector<1x16xf32>,
      %get3A_337 = vector.shape_cast %get3A_336 : vector<1x16xf32> to vector<16xf32>
      %get3A_338 = arith.constant 0 : i32
      %get3A_339 = arith.index_cast %get3A_338 : i32 to index
      %get3A_340 = arith.constant 32 : index
      %get3A_341 = tpu.vector_load %arg8[%get3A_339, %get3A_340] {strides = array<i32>} : memref<100x128xf32, #tpu.memory_space<vmem>>, vector<1x16xf32>,
      %get3A_342 = vector.shape_cast %get3A_341 : vector<1x16xf32> to vector<16xf32>
      %get3A_343 = arith.constant 0 : i32
      %get3A_344 = arith.index_cast %get3A_343 : i32 to index
      %get3A_345 = arith.constant 48 : index
      %get3A_346 = tpu.vector_load %arg8[%get3A_344, %get3A_345] {strides = array<i32>} : memref<100x128xf32, #tpu.memory_space<vmem>>, vector<1x16xf32>,
      %get3A_347 = vector.shape_cast %get3A_346 : vector<1x16xf32> to vector<16xf32>
      %get3A_348 = arith.constant 0 : i32
      %get3A_349 = arith.index_cast %get3A_348 : i32 to index
      %get3A_350 = arith.constant 64 : index
      %get3A_351 = tpu.vector_load %arg8[%get3A_349, %get3A_350] {strides = array<i32>} : memref<100x128xf32, #tpu.memory_space<vmem>>, vector<1x16xf32>,
      %get3A_352 = vector.shape_cast %get3A_351 : vector<1x16xf32> to vector<16xf32>
      %get3A_353 = arith.constant 0 : i32
      %get3A_354 = arith.index_cast %get3A_353 : i32 to index
      %get3A_355 = arith.constant 80 : index
      %get3A_356 = tpu.vector_load %arg8[%get3A_354, %get3A_355] {strides = array<i32>} : memref<100x128xf32, #tpu.memory_space<vmem>>, vector<1x16xf32>,
      %get3A_357 = vector.shape_cast %get3A_356 : vector<1x16xf32> to vector<16xf32>
      %get3A_358 = arith.constant 0 : i32
      %get3A_359 = arith.index_cast %get3A_358 : i32 to index
      %get3A_360 = arith.constant 96 : index
      %get3A_361 = tpu.vector_load %arg8[%get3A_359, %get3A_360] {strides = array<i32>} : memref<100x128xf32, #tpu.memory_space<vmem>>, vector<1x16xf32>,
      %get3A_362 = vector.shape_cast %get3A_361 : vector<1x16xf32> to vector<16xf32>
      %get3A_363 = arith.constant 0 : i32
      %get3A_364 = arith.index_cast %get3A_363 : i32 to index
      %get3A_365 = arith.constant 112 : index
      %get3A_366 = tpu.vector_load %arg8[%get3A_364, %get3A_365] {strides = array<i32>} : memref<100x128xf32, #tpu.memory_space<vmem>>, vector<1x16xf32>,
      %get3A_367 = vector.shape_cast %get3A_366 : vector<1x16xf32> to vector<16xf32>
      %scan3A_368 = arith.constant 1 : i32
      %scan3A_369 = arith.constant 99 : i32
      %scan3A_370 = arith.addi %scan3A_368, %scan3A_369 : i32
      %scan3A_371 = arith.constant 3 : i32
      %scan3A_372:8 = scf.for %scan3A_614 = %scan3A_368 to %scan3A_370 step %scan3A_371 iter_args(%scan3A_615 = %get3A_332, %scan3A_616 = %get3A_337, %scan3A_617 = %get3A_342, %scan3A_618 = %get3A_347, %scan3A_619 = %get3A_352, %scan3A_620 = %get3A_357, %scan3A_621 = %get3A_362, %scan3A_622 = %get3A_367) -> (vector<16xf32>, vector<16xf32>, vector<16xf32>, vector<16xf32>, vector<16xf32>, vector<16xf32>, vector<16xf32>, vector<16xf32>)  : i32 {
        %get3A_623 = arith.index_cast %scan3A_614 : i32 to index
        %get3A_624 = arith.constant 0 : index
        %get3A_625 = tpu.vector_load %arg8[%get3A_623, %get3A_624] {strides = array<i32>} : memref<100x128xf32, #tpu.memory_space<vmem>>, vector<1x16xf32>,
        %get3A_626 = vector.shape_cast %get3A_625 : vector<1x16xf32> to vector<16xf32>
        %max3A_627 = arith.maximumf %scan3A_615, %get3A_626 : vector<16xf32>
        %get3A_628 = arith.index_cast %scan3A_614 : i32 to index
        %get3A_629 = arith.constant 16 : index
        %get3A_630 = tpu.vector_load %arg8[%get3A_628, %get3A_629] {strides = array<i32>} : memref<100x128xf32, #tpu.memory_space<vmem>>, vector<1x16xf32>,
        %get3A_631 = vector.shape_cast %get3A_630 : vector<1x16xf32> to vector<16xf32>
        %max3A_632 = arith.maximumf %scan3A_616, %get3A_631 : vector<16xf32>
        %get3A_633 = arith.index_cast %scan3A_614 : i32 to index
        %get3A_634 = arith.constant 32 : index
        %get3A_635 = tpu.vector_load %arg8[%get3A_633, %get3A_634] {strides = array<i32>} : memref<100x128xf32, #tpu.memory_space<vmem>>, vector<1x16xf32>,
        %get3A_636 = vector.shape_cast %get3A_635 : vector<1x16xf32> to vector<16xf32>
        %max3A_637 = arith.maximumf %scan3A_617, %get3A_636 : vector<16xf32>
        %get3A_638 = arith.index_cast %scan3A_614 : i32 to index
        %get3A_639 = arith.constant 48 : index
        %get3A_640 = tpu.vector_load %arg8[%get3A_638, %get3A_639] {strides = array<i32>} : memref<100x128xf32, #tpu.memory_space<vmem>>, vector<1x16xf32>,
        %get3A_641 = vector.shape_cast %get3A_640 : vector<1x16xf32> to vector<16xf32>
        %max3A_642 = arith.maximumf %scan3A_618, %get3A_641 : vector<16xf32>
        %get3A_643 = arith.index_cast %scan3A_614 : i32 to index
        %get3A_644 = arith.constant 64 : index
        %get3A_645 = tpu.vector_load %arg8[%get3A_643, %get3A_644] {strides = array<i32>} : memref<100x128xf32, #tpu.memory_space<vmem>>, vector<1x16xf32>,
        %get3A_646 = vector.shape_cast %get3A_645 : vector<1x16xf32> to vector<16xf32>
        %max3A_647 = arith.maximumf %scan3A_619, %get3A_646 : vector<16xf32>
        %get3A_648 = arith.index_cast %scan3A_614 : i32 to index
        %get3A_649 = arith.constant 80 : index
        %get3A_650 = tpu.vector_load %arg8[%get3A_648, %get3A_649] {strides = array<i32>} : memref<100x128xf32, #tpu.memory_space<vmem>>, vector<1x16xf32>,
        %get3A_651 = vector.shape_cast %get3A_650 : vector<1x16xf32> to vector<16xf32>
        %max3A_652 = arith.maximumf %scan3A_620, %get3A_651 : vector<16xf32>
        %get3A_653 = arith.index_cast %scan3A_614 : i32 to index
        %get3A_654 = arith.constant 96 : index
        %get3A_655 = tpu.vector_load %arg8[%get3A_653, %get3A_654] {strides = array<i32>} : memref<100x128xf32, #tpu.memory_space<vmem>>, vector<1x16xf32>,
        %get3A_656 = vector.shape_cast %get3A_655 : vector<1x16xf32> to vector<16xf32>
        %max3A_657 = arith.maximumf %scan3A_621, %get3A_656 : vector<16xf32>
        %get3A_658 = arith.index_cast %scan3A_614 : i32 to index
        %get3A_659 = arith.constant 112 : index
        %get3A_660 = tpu.vector_load %arg8[%get3A_658, %get3A_659] {strides = array<i32>} : memref<100x128xf32, #tpu.memory_space<vmem>>, vector<1x16xf32>,
        %get3A_661 = vector.shape_cast %get3A_660 : vector<1x16xf32> to vector<16xf32>
        %max3A_662 = arith.maximumf %scan3A_622, %get3A_661 : vector<16xf32>
        %scan3A_663 = arith.constant 1 : i32
        %scan3A_664 = arith.addi %scan3A_614, %scan3A_663 : i32
        %get3A_665 = arith.index_cast %scan3A_664 : i32 to index
        %get3A_666 = arith.constant 0 : index
        %get3A_667 = tpu.vector_load %arg8[%get3A_665, %get3A_666] {strides = array<i32>} : memref<100x128xf32, #tpu.memory_space<vmem>>, vector<1x16xf32>,
        %get3A_668 = vector.shape_cast %get3A_667 : vector<1x16xf32> to vector<16xf32>
        %max3A_669 = arith.maximumf %max3A_627, %get3A_668 : vector<16xf32>
        %get3A_670 = arith.index_cast %scan3A_664 : i32 to index
        %get3A_671 = arith.constant 16 : index
        %get3A_672 = tpu.vector_load %arg8[%get3A_670, %get3A_671] {strides = array<i32>} : memref<100x128xf32, #tpu.memory_space<vmem>>, vector<1x16xf32>,
        %get3A_673 = vector.shape_cast %get3A_672 : vector<1x16xf32> to vector<16xf32>
        %max3A_674 = arith.maximumf %max3A_632, %get3A_673 : vector<16xf32>
        %get3A_675 = arith.index_cast %scan3A_664 : i32 to index
        %get3A_676 = arith.constant 32 : index
        %get3A_677 = tpu.vector_load %arg8[%get3A_675, %get3A_676] {strides = array<i32>} : memref<100x128xf32, #tpu.memory_space<vmem>>, vector<1x16xf32>,
        %get3A_678 = vector.shape_cast %get3A_677 : vector<1x16xf32> to vector<16xf32>
        %max3A_679 = arith.maximumf %max3A_637, %get3A_678 : vector<16xf32>
        %get3A_680 = arith.index_cast %scan3A_664 : i32 to index
        %get3A_681 = arith.constant 48 : index
        %get3A_682 = tpu.vector_load %arg8[%get3A_680, %get3A_681] {strides = array<i32>} : memref<100x128xf32, #tpu.memory_space<vmem>>, vector<1x16xf32>,
        %get3A_683 = vector.shape_cast %get3A_682 : vector<1x16xf32> to vector<16xf32>
        %max3A_684 = arith.maximumf %max3A_642, %get3A_683 : vector<16xf32>
        %get3A_685 = arith.index_cast %scan3A_664 : i32 to index
        %get3A_686 = arith.constant 64 : index
        %get3A_687 = tpu.vector_load %arg8[%get3A_685, %get3A_686] {strides = array<i32>} : memref<100x128xf32, #tpu.memory_space<vmem>>, vector<1x16xf32>,
        %get3A_688 = vector.shape_cast %get3A_687 : vector<1x16xf32> to vector<16xf32>
        %max3A_689 = arith.maximumf %max3A_647, %get3A_688 : vector<16xf32>
        %get3A_690 = arith.index_cast %scan3A_664 : i32 to index
        %get3A_691 = arith.constant 80 : index
        %get3A_692 = tpu.vector_load %arg8[%get3A_690, %get3A_691] {strides = array<i32>} : memref<100x128xf32, #tpu.memory_space<vmem>>, vector<1x16xf32>,
        %get3A_693 = vector.shape_cast %get3A_692 : vector<1x16xf32> to vector<16xf32>
        %max3A_694 = arith.maximumf %max3A_652, %get3A_693 : vector<16xf32>
        %get3A_695 = arith.index_cast %scan3A_664 : i32 to index
        %get3A_696 = arith.constant 96 : index
        %get3A_697 = tpu.vector_load %arg8[%get3A_695, %get3A_696] {strides = array<i32>} : memref<100x128xf32, #tpu.memory_space<vmem>>, vector<1x16xf32>,
        %get3A_698 = vector.shape_cast %get3A_697 : vector<1x16xf32> to vector<16xf32>
        %max3A_699 = arith.maximumf %max3A_657, %get3A_698 : vector<16xf32>
        %get3A_700 = arith.index_cast %scan3A_664 : i32 to index
        %get3A_701 = arith.constant 112 : index
        %get3A_702 = tpu.vector_load %arg8[%get3A_700, %get3A_701] {strides = array<i32>} : memref<100x128xf32, #tpu.memory_space<vmem>>, vector<1x16xf32>,
        %get3A_703 = vector.shape_cast %get3A_702 : vector<1x16xf32> to vector<16xf32>
        %max3A_704 = arith.maximumf %max3A_662, %get3A_703 : vector<16xf32>
        %scan3A_705 = arith.constant 2 : i32
        %scan3A_706 = arith.addi %scan3A_614, %scan3A_705 : i32
        %get3A_707 = arith.index_cast %scan3A_706 : i32 to index
        %get3A_708 = arith.constant 0 : index
        %get3A_709 = tpu.vector_load %arg8[%get3A_707, %get3A_708] {strides = array<i32>} : memref<100x128xf32, #tpu.memory_space<vmem>>, vector<1x16xf32>,
        %get3A_710 = vector.shape_cast %get3A_709 : vector<1x16xf32> to vector<16xf32>
        %max3A_711 = arith.maximumf %max3A_669, %get3A_710 : vector<16xf32>
        %get3A_712 = arith.index_cast %scan3A_706 : i32 to index
        %get3A_713 = arith.constant 16 : index
        %get3A_714 = tpu.vector_load %arg8[%get3A_712, %get3A_713] {strides = array<i32>} : memref<100x128xf32, #tpu.memory_space<vmem>>, vector<1x16xf32>,
        %get3A_715 = vector.shape_cast %get3A_714 : vector<1x16xf32> to vector<16xf32>
        %max3A_716 = arith.maximumf %max3A_674, %get3A_715 : vector<16xf32>
        %get3A_717 = arith.index_cast %scan3A_706 : i32 to index
        %get3A_718 = arith.constant 32 : index
        %get3A_719 = tpu.vector_load %arg8[%get3A_717, %get3A_718] {strides = array<i32>} : memref<100x128xf32, #tpu.memory_space<vmem>>, vector<1x16xf32>,
        %get3A_720 = vector.shape_cast %get3A_719 : vector<1x16xf32> to vector<16xf32>
        %max3A_721 = arith.maximumf %max3A_679, %get3A_720 : vector<16xf32>
        %get3A_722 = arith.index_cast %scan3A_706 : i32 to index
        %get3A_723 = arith.constant 48 : index
        %get3A_724 = tpu.vector_load %arg8[%get3A_722, %get3A_723] {strides = array<i32>} : memref<100x128xf32, #tpu.memory_space<vmem>>, vector<1x16xf32>,
        %get3A_725 = vector.shape_cast %get3A_724 : vector<1x16xf32> to vector<16xf32>
        %max3A_726 = arith.maximumf %max3A_684, %get3A_725 : vector<16xf32>
        %get3A_727 = arith.index_cast %scan3A_706 : i32 to index
        %get3A_728 = arith.constant 64 : index
        %get3A_729 = tpu.vector_load %arg8[%get3A_727, %get3A_728] {strides = array<i32>} : memref<100x128xf32, #tpu.memory_space<vmem>>, vector<1x16xf32>,
        %get3A_730 = vector.shape_cast %get3A_729 : vector<1x16xf32> to vector<16xf32>
        %max3A_731 = arith.maximumf %max3A_689, %get3A_730 : vector<16xf32>
        %get3A_732 = arith.index_cast %scan3A_706 : i32 to index
        %get3A_733 = arith.constant 80 : index
        %get3A_734 = tpu.vector_load %arg8[%get3A_732, %get3A_733] {strides = array<i32>} : memref<100x128xf32, #tpu.memory_space<vmem>>, vector<1x16xf32>,
        %get3A_735 = vector.shape_cast %get3A_734 : vector<1x16xf32> to vector<16xf32>
        %max3A_736 = arith.maximumf %max3A_694, %get3A_735 : vector<16xf32>
        %get3A_737 = arith.index_cast %scan3A_706 : i32 to index
        %get3A_738 = arith.constant 96 : index
        %get3A_739 = tpu.vector_load %arg8[%get3A_737, %get3A_738] {strides = array<i32>} : memref<100x128xf32, #tpu.memory_space<vmem>>, vector<1x16xf32>,
        %get3A_740 = vector.shape_cast %get3A_739 : vector<1x16xf32> to vector<16xf32>
        %max3A_741 = arith.maximumf %max3A_699, %get3A_740 : vector<16xf32>
        %get3A_742 = arith.index_cast %scan3A_706 : i32 to index
        %get3A_743 = arith.constant 112 : index
        %get3A_744 = tpu.vector_load %arg8[%get3A_742, %get3A_743] {strides = array<i32>} : memref<100x128xf32, #tpu.memory_space<vmem>>, vector<1x16xf32>,
        %get3A_745 = vector.shape_cast %get3A_744 : vector<1x16xf32> to vector<16xf32>
        %max3A_746 = arith.maximumf %max3A_704, %get3A_745 : vector<16xf32>
        scf.yield %max3A_711, %max3A_716, %max3A_721, %max3A_726, %max3A_731, %max3A_736, %max3A_741, %max3A_746 : vector<16xf32>, vector<16xf32>, vector<16xf32>, vector<16xf32>, vector<16xf32>, vector<16xf32>, vector<16xf32>, vector<16xf32>
      }
      %scan3A_373 = arith.constant 99 : i32
      %jit3A_374 = arith.constant 2 : i32
      %div3A_375 = arith.divsi %add3A_321, %jit3A_374 : i32
      %sign3A_376 = arith.constant 0 : i32
      %sign3A_377 = arith.cmpi sgt, %add3A_321, %sign3A_376 : i32
      %sign3A_378 = arith.extui %sign3A_377 : i1 to i32
      %sign3A_379 = arith.constant 0 : i32
      %sign3A_380 = arith.cmpi slt, %add3A_321, %sign3A_379 : i32
      %sign3A_381 = arith.extui %sign3A_380 : i1 to i32
      %sign3A_382 = arith.subi %sign3A_378, %sign3A_381 : i32
      %sign3A_383 = arith.constant 0 : i32
      %sign3A_384 = arith.cmpi sgt, %jit3A_374, %sign3A_383 : i32
      %sign3A_385 = arith.extui %sign3A_384 : i1 to i32
      %sign3A_386 = arith.constant 0 : i32
      %sign3A_387 = arith.cmpi slt, %jit3A_374, %sign3A_386 : i32
      %sign3A_388 = arith.extui %sign3A_387 : i1 to i32
      %sign3A_389 = arith.subi %sign3A_385, %sign3A_388 : i32
      %ne3A_390 = arith.cmpi ne, %sign3A_382, %sign3A_389 : i32
      %rem3A_391 = arith.remsi %add3A_321, %jit3A_374 : i32
      %ne3A_392 = arith.constant 0 : i32
      %ne3A_393 = arith.cmpi ne, %rem3A_391, %ne3A_392 : i32
      %and3A_394 = arith.andi %ne3A_390, %ne3A_393 : i1
      %sub3A_395 = arith.constant 1 : i32
      %sub3A_396 = arith.subi %div3A_375, %sub3A_395 : i32
      %select_n3A_397 = arith.select %and3A_394, %sub3A_396, %div3A_375 : i32
      %swap3A_398 = arith.index_cast %select_n3A_397 : i32 to index
      %swap3A_399 = arith.constant 0 : index
      %swap3A_400 = tpu.vector_load %arg10[%swap3A_398, %swap3A_399] {strides = array<i32>} : memref<32x128xf32, #tpu.memory_space<vmem>>, vector<1x16xf32>,
      %swap3A_401 = vector.shape_cast %swap3A_400 : vector<1x16xf32> to vector<16xf32>
      %swap3A_402 = vector.shape_cast %scan3A_372#0 : vector<16xf32> to vector<1x16xf32>
      tpu.vector_store %arg10[%swap3A_398, %swap3A_399], %swap3A_402 {strides = array<i32>} : memref<32x128xf32, #tpu.memory_space<vmem>>, vector<1x16xf32>,
      %swap3A_403 = arith.index_cast %select_n3A_397 : i32 to index
      %swap3A_404 = arith.constant 16 : index
      %swap3A_405 = tpu.vector_load %arg10[%swap3A_403, %swap3A_404] {strides = array<i32>} : memref<32x128xf32, #tpu.memory_space<vmem>>, vector<1x16xf32>,
      %swap3A_406 = vector.shape_cast %swap3A_405 : vector<1x16xf32> to vector<16xf32>
      %swap3A_407 = vector.shape_cast %scan3A_372#1 : vector<16xf32> to vector<1x16xf32>
      tpu.vector_store %arg10[%swap3A_403, %swap3A_404], %swap3A_407 {strides = array<i32>} : memref<32x128xf32, #tpu.memory_space<vmem>>, vector<1x16xf32>,
      %swap3A_408 = arith.index_cast %select_n3A_397 : i32 to index
      %swap3A_409 = arith.constant 32 : index
      %swap3A_410 = tpu.vector_load %arg10[%swap3A_408, %swap3A_409] {strides = array<i32>} : memref<32x128xf32, #tpu.memory_space<vmem>>, vector<1x16xf32>,
      %swap3A_411 = vector.shape_cast %swap3A_410 : vector<1x16xf32> to vector<16xf32>
      %swap3A_412 = vector.shape_cast %scan3A_372#2 : vector<16xf32> to vector<1x16xf32>
      tpu.vector_store %arg10[%swap3A_408, %swap3A_409], %swap3A_412 {strides = array<i32>} : memref<32x128xf32, #tpu.memory_space<vmem>>, vector<1x16xf32>,
      %swap3A_413 = arith.index_cast %select_n3A_397 : i32 to index
      %swap3A_414 = arith.constant 48 : index
      %swap3A_415 = tpu.vector_load %arg10[%swap3A_413, %swap3A_414] {strides = array<i32>} : memref<32x128xf32, #tpu.memory_space<vmem>>, vector<1x16xf32>,
      %swap3A_416 = vector.shape_cast %swap3A_415 : vector<1x16xf32> to vector<16xf32>
      %swap3A_417 = vector.shape_cast %scan3A_372#3 : vector<16xf32> to vector<1x16xf32>
      tpu.vector_store %arg10[%swap3A_413, %swap3A_414], %swap3A_417 {strides = array<i32>} : memref<32x128xf32, #tpu.memory_space<vmem>>, vector<1x16xf32>,
      %swap3A_418 = arith.index_cast %select_n3A_397 : i32 to index
      %swap3A_419 = arith.constant 64 : index
      %swap3A_420 = tpu.vector_load %arg10[%swap3A_418, %swap3A_419] {strides = array<i32>} : memref<32x128xf32, #tpu.memory_space<vmem>>, vector<1x16xf32>,
      %swap3A_421 = vector.shape_cast %swap3A_420 : vector<1x16xf32> to vector<16xf32>
      %swap3A_422 = vector.shape_cast %scan3A_372#4 : vector<16xf32> to vector<1x16xf32>
      tpu.vector_store %arg10[%swap3A_418, %swap3A_419], %swap3A_422 {strides = array<i32>} : memref<32x128xf32, #tpu.memory_space<vmem>>, vector<1x16xf32>,
      %swap3A_423 = arith.index_cast %select_n3A_397 : i32 to index
      %swap3A_424 = arith.constant 80 : index
      %swap3A_425 = tpu.vector_load %arg10[%swap3A_423, %swap3A_424] {strides = array<i32>} : memref<32x128xf32, #tpu.memory_space<vmem>>, vector<1x16xf32>,
      %swap3A_426 = vector.shape_cast %swap3A_425 : vector<1x16xf32> to vector<16xf32>
      %swap3A_427 = vector.shape_cast %scan3A_372#5 : vector<16xf32> to vector<1x16xf32>
      tpu.vector_store %arg10[%swap3A_423, %swap3A_424], %swap3A_427 {strides = array<i32>} : memref<32x128xf32, #tpu.memory_space<vmem>>, vector<1x16xf32>,
      %swap3A_428 = arith.index_cast %select_n3A_397 : i32 to index
      %swap3A_429 = arith.constant 96 : index
      %swap3A_430 = tpu.vector_load %arg10[%swap3A_428, %swap3A_429] {strides = array<i32>} : memref<32x128xf32, #tpu.memory_space<vmem>>, vector<1x16xf32>,
      %swap3A_431 = vector.shape_cast %swap3A_430 : vector<1x16xf32> to vector<16xf32>
      %swap3A_432 = vector.shape_cast %scan3A_372#6 : vector<16xf32> to vector<1x16xf32>
      tpu.vector_store %arg10[%swap3A_428, %swap3A_429], %swap3A_432 {strides = array<i32>} : memref<32x128xf32, #tpu.memory_space<vmem>>, vector<1x16xf32>,
      %swap3A_433 = arith.index_cast %select_n3A_397 : i32 to index
      %swap3A_434 = arith.constant 112 : index
      %swap3A_435 = tpu.vector_load %arg10[%swap3A_433, %swap3A_434] {strides = array<i32>} : memref<32x128xf32, #tpu.memory_space<vmem>>, vector<1x16xf32>,
      %swap3A_436 = vector.shape_cast %swap3A_435 : vector<1x16xf32> to vector<16xf32>
      %swap3A_437 = vector.shape_cast %scan3A_372#7 : vector<16xf32> to vector<1x16xf32>
      tpu.vector_store %arg10[%swap3A_433, %swap3A_434], %swap3A_437 {strides = array<i32>} : memref<32x128xf32, #tpu.memory_space<vmem>>, vector<1x16xf32>,
      %add3A_438 = arith.constant 2 : i32
      %add3A_439 = arith.addi %add3A_40, %add3A_438 : i32
      %add3A_440 = arith.constant 4 : i32
      %add3A_441 = arith.addi %add3A_439, %add3A_440 : i32
      %lt3A_442 = arith.constant 64 : i32
      %lt3A_443 = arith.cmpi slt, %add3A_441, %lt3A_442 : i32
      %convert_element_type3A_444 = arith.extui %lt3A_443 : i1 to i32
      %cond3A_445 = arith.constant 0 : i32
      %cond3A_446 = arith.cmpi ne, %convert_element_type3A_444, %cond3A_445 : i32
      scf.if %cond3A_446 {
        %add3A_614 = arith.constant 2 : i32
        %add3A_615 = arith.addi %add3A_40, %add3A_614 : i32
        %add3A_616 = arith.constant 4 : i32
        %add3A_617 = arith.addi %add3A_615, %add3A_616 : i32
        %dma_start3A_618 = arith.constant 0 : i32
        %dma_start3A_619 = tpu.memref_slice %arg5[%add3A_617, %dma_start3A_618] : memref<64x100xi32, #tpu.memory_space<vmem>> -> memref<1x100xi32, #tpu.memory_space<vmem>>
        %dma_start3A_620 = tpu.memref_squeeze %dma_start3A_619 : memref<1x100xi32, #tpu.memory_space<vmem>> -> memref<100xi32, #tpu.memory_space<vmem>>
        %dma_start3A_621 = arith.constant 0 : i32
        %dma_start3A_622 = arith.constant 0 : i32
        %dma_start3A_623 = tpu.memref_slice %arg3[%dma_start3A_621, %dma_start3A_622] : memref<1000000x128xf32, #tpu.memory_space<hbm>> -> memref<1000000x128xf32, #tpu.memory_space<hbm>>
        tpu.enqueue_indirect_dma source(%dma_start3A_623 : memref<1000000x128xf32, #tpu.memory_space<hbm>>) target(%arg8 : memref<100x128xf32, #tpu.memory_space<vmem>>) offsets(%dma_start3A_620 : memref<100xi32, #tpu.memory_space<vmem>>) semaphore(%arg13 : memref<!tpu.dma_semaphore, #tpu.memory_space<semaphore_mem>>)
      } else {
      }
      %add3A_447 = arith.constant 3 : i32
      %add3A_448 = arith.addi %add3A_40, %add3A_447 : i32
      %dma_wait3A_449 = arith.constant 0 : i32
      %dma_wait3A_450 = tpu.memref_slice %arg5[%add3A_448, %dma_wait3A_449] : memref<64x100xi32, #tpu.memory_space<vmem>> -> memref<1x100xi32, #tpu.memory_space<vmem>>
      %dma_wait3A_451 = tpu.memref_squeeze %dma_wait3A_450 : memref<1x100xi32, #tpu.memory_space<vmem>> -> memref<100xi32, #tpu.memory_space<vmem>>
      %dma_wait3A_452 = arith.constant 0 : i32
      %dma_wait3A_453 = arith.constant 0 : i32
      %dma_wait3A_454 = tpu.memref_slice %arg3[%dma_wait3A_452, %dma_wait3A_453] : memref<1000000x128xf32, #tpu.memory_space<hbm>> -> memref<1000000x128xf32, #tpu.memory_space<hbm>>
      tpu.wait_indirect_dma semaphore(%arg14 : memref<!tpu.dma_semaphore, #tpu.memory_space<semaphore_mem>>) src(%dma_wait3A_454 : memref<1000000x128xf32, #tpu.memory_space<hbm>>) dst(%arg9 : memref<100x128xf32, #tpu.memory_space<vmem>>)
      %get3A_455 = arith.constant 0 : i32
      %get3A_456 = arith.index_cast %get3A_455 : i32 to index
      %get3A_457 = arith.constant 0 : index
      %get3A_458 = tpu.vector_load %arg9[%get3A_456, %get3A_457] {strides = array<i32>} : memref<100x128xf32, #tpu.memory_space<vmem>>, vector<1x16xf32>,
      %get3A_459 = vector.shape_cast %get3A_458 : vector<1x16xf32> to vector<16xf32>
      %get3A_460 = arith.constant 0 : i32
      %get3A_461 = arith.index_cast %get3A_460 : i32 to index
      %get3A_462 = arith.constant 16 : index
      %get3A_463 = tpu.vector_load %arg9[%get3A_461, %get3A_462] {strides = array<i32>} : memref<100x128xf32, #tpu.memory_space<vmem>>, vector<1x16xf32>,
      %get3A_464 = vector.shape_cast %get3A_463 : vector<1x16xf32> to vector<16xf32>
      %get3A_465 = arith.constant 0 : i32
      %get3A_466 = arith.index_cast %get3A_465 : i32 to index
      %get3A_467 = arith.constant 32 : index
      %get3A_468 = tpu.vector_load %arg9[%get3A_466, %get3A_467] {strides = array<i32>} : memref<100x128xf32, #tpu.memory_space<vmem>>, vector<1x16xf32>,
      %get3A_469 = vector.shape_cast %get3A_468 : vector<1x16xf32> to vector<16xf32>
      %get3A_470 = arith.constant 0 : i32
      %get3A_471 = arith.index_cast %get3A_470 : i32 to index
      %get3A_472 = arith.constant 48 : index
      %get3A_473 = tpu.vector_load %arg9[%get3A_471, %get3A_472] {strides = array<i32>} : memref<100x128xf32, #tpu.memory_space<vmem>>, vector<1x16xf32>,
      %get3A_474 = vector.shape_cast %get3A_473 : vector<1x16xf32> to vector<16xf32>
      %get3A_475 = arith.constant 0 : i32
      %get3A_476 = arith.index_cast %get3A_475 : i32 to index
      %get3A_477 = arith.constant 64 : index
      %get3A_478 = tpu.vector_load %arg9[%get3A_476, %get3A_477] {strides = array<i32>} : memref<100x128xf32, #tpu.memory_space<vmem>>, vector<1x16xf32>,
      %get3A_479 = vector.shape_cast %get3A_478 : vector<1x16xf32> to vector<16xf32>
      %get3A_480 = arith.constant 0 : i32
      %get3A_481 = arith.index_cast %get3A_480 : i32 to index
      %get3A_482 = arith.constant 80 : index
      %get3A_483 = tpu.vector_load %arg9[%get3A_481, %get3A_482] {strides = array<i32>} : memref<100x128xf32, #tpu.memory_space<vmem>>, vector<1x16xf32>,
      %get3A_484 = vector.shape_cast %get3A_483 : vector<1x16xf32> to vector<16xf32>
      %get3A_485 = arith.constant 0 : i32
      %get3A_486 = arith.index_cast %get3A_485 : i32 to index
      %get3A_487 = arith.constant 96 : index
      %get3A_488 = tpu.vector_load %arg9[%get3A_486, %get3A_487] {strides = array<i32>} : memref<100x128xf32, #tpu.memory_space<vmem>>, vector<1x16xf32>,
      %get3A_489 = vector.shape_cast %get3A_488 : vector<1x16xf32> to vector<16xf32>
      %get3A_490 = arith.constant 0 : i32
      %get3A_491 = arith.index_cast %get3A_490 : i32 to index
      %get3A_492 = arith.constant 112 : index
      %get3A_493 = tpu.vector_load %arg9[%get3A_491, %get3A_492] {strides = array<i32>} : memref<100x128xf32, #tpu.memory_space<vmem>>, vector<1x16xf32>,
      %get3A_494 = vector.shape_cast %get3A_493 : vector<1x16xf32> to vector<16xf32>
      %scan3A_495 = arith.constant 1 : i32
      %scan3A_496 = arith.constant 99 : i32
      %scan3A_497 = arith.addi %scan3A_495, %scan3A_496 : i32
      %scan3A_498 = arith.constant 3 : i32
      %scan3A_499:8 = scf.for %scan3A_614 = %scan3A_495 to %scan3A_497 step %scan3A_498 iter_args(%scan3A_615 = %get3A_459, %scan3A_616 = %get3A_464, %scan3A_617 = %get3A_469, %scan3A_618 = %get3A_474, %scan3A_619 = %get3A_479, %scan3A_620 = %get3A_484, %scan3A_621 = %get3A_489, %scan3A_622 = %get3A_494) -> (vector<16xf32>, vector<16xf32>, vector<16xf32>, vector<16xf32>, vector<16xf32>, vector<16xf32>, vector<16xf32>, vector<16xf32>)  : i32 {
        %get3A_623 = arith.index_cast %scan3A_614 : i32 to index
        %get3A_624 = arith.constant 0 : index
        %get3A_625 = tpu.vector_load %arg9[%get3A_623, %get3A_624] {strides = array<i32>} : memref<100x128xf32, #tpu.memory_space<vmem>>, vector<1x16xf32>,
        %get3A_626 = vector.shape_cast %get3A_625 : vector<1x16xf32> to vector<16xf32>
        %max3A_627 = arith.maximumf %scan3A_615, %get3A_626 : vector<16xf32>
        %get3A_628 = arith.index_cast %scan3A_614 : i32 to index
        %get3A_629 = arith.constant 16 : index
        %get3A_630 = tpu.vector_load %arg9[%get3A_628, %get3A_629] {strides = array<i32>} : memref<100x128xf32, #tpu.memory_space<vmem>>, vector<1x16xf32>,
        %get3A_631 = vector.shape_cast %get3A_630 : vector<1x16xf32> to vector<16xf32>
        %max3A_632 = arith.maximumf %scan3A_616, %get3A_631 : vector<16xf32>
        %get3A_633 = arith.index_cast %scan3A_614 : i32 to index
        %get3A_634 = arith.constant 32 : index
        %get3A_635 = tpu.vector_load %arg9[%get3A_633, %get3A_634] {strides = array<i32>} : memref<100x128xf32, #tpu.memory_space<vmem>>, vector<1x16xf32>,
        %get3A_636 = vector.shape_cast %get3A_635 : vector<1x16xf32> to vector<16xf32>
        %max3A_637 = arith.maximumf %scan3A_617, %get3A_636 : vector<16xf32>
        %get3A_638 = arith.index_cast %scan3A_614 : i32 to index
        %get3A_639 = arith.constant 48 : index
        %get3A_640 = tpu.vector_load %arg9[%get3A_638, %get3A_639] {strides = array<i32>} : memref<100x128xf32, #tpu.memory_space<vmem>>, vector<1x16xf32>,
        %get3A_641 = vector.shape_cast %get3A_640 : vector<1x16xf32> to vector<16xf32>
        %max3A_642 = arith.maximumf %scan3A_618, %get3A_641 : vector<16xf32>
        %get3A_643 = arith.index_cast %scan3A_614 : i32 to index
        %get3A_644 = arith.constant 64 : index
        %get3A_645 = tpu.vector_load %arg9[%get3A_643, %get3A_644] {strides = array<i32>} : memref<100x128xf32, #tpu.memory_space<vmem>>, vector<1x16xf32>,
        %get3A_646 = vector.shape_cast %get3A_645 : vector<1x16xf32> to vector<16xf32>
        %max3A_647 = arith.maximumf %scan3A_619, %get3A_646 : vector<16xf32>
        %get3A_648 = arith.index_cast %scan3A_614 : i32 to index
        %get3A_649 = arith.constant 80 : index
        %get3A_650 = tpu.vector_load %arg9[%get3A_648, %get3A_649] {strides = array<i32>} : memref<100x128xf32, #tpu.memory_space<vmem>>, vector<1x16xf32>,
        %get3A_651 = vector.shape_cast %get3A_650 : vector<1x16xf32> to vector<16xf32>
        %max3A_652 = arith.maximumf %scan3A_620, %get3A_651 : vector<16xf32>
        %get3A_653 = arith.index_cast %scan3A_614 : i32 to index
        %get3A_654 = arith.constant 96 : index
        %get3A_655 = tpu.vector_load %arg9[%get3A_653, %get3A_654] {strides = array<i32>} : memref<100x128xf32, #tpu.memory_space<vmem>>, vector<1x16xf32>,
        %get3A_656 = vector.shape_cast %get3A_655 : vector<1x16xf32> to vector<16xf32>
        %max3A_657 = arith.maximumf %scan3A_621, %get3A_656 : vector<16xf32>
        %get3A_658 = arith.index_cast %scan3A_614 : i32 to index
        %get3A_659 = arith.constant 112 : index
        %get3A_660 = tpu.vector_load %arg9[%get3A_658, %get3A_659] {strides = array<i32>} : memref<100x128xf32, #tpu.memory_space<vmem>>, vector<1x16xf32>,
        %get3A_661 = vector.shape_cast %get3A_660 : vector<1x16xf32> to vector<16xf32>
        %max3A_662 = arith.maximumf %scan3A_622, %get3A_661 : vector<16xf32>
        %scan3A_663 = arith.constant 1 : i32
        %scan3A_664 = arith.addi %scan3A_614, %scan3A_663 : i32
        %get3A_665 = arith.index_cast %scan3A_664 : i32 to index
        %get3A_666 = arith.constant 0 : index
        %get3A_667 = tpu.vector_load %arg9[%get3A_665, %get3A_666] {strides = array<i32>} : memref<100x128xf32, #tpu.memory_space<vmem>>, vector<1x16xf32>,
        %get3A_668 = vector.shape_cast %get3A_667 : vector<1x16xf32> to vector<16xf32>
        %max3A_669 = arith.maximumf %max3A_627, %get3A_668 : vector<16xf32>
        %get3A_670 = arith.index_cast %scan3A_664 : i32 to index
        %get3A_671 = arith.constant 16 : index
        %get3A_672 = tpu.vector_load %arg9[%get3A_670, %get3A_671] {strides = array<i32>} : memref<100x128xf32, #tpu.memory_space<vmem>>, vector<1x16xf32>,
        %get3A_673 = vector.shape_cast %get3A_672 : vector<1x16xf32> to vector<16xf32>
        %max3A_674 = arith.maximumf %max3A_632, %get3A_673 : vector<16xf32>
        %get3A_675 = arith.index_cast %scan3A_664 : i32 to index
        %get3A_676 = arith.constant 32 : index
        %get3A_677 = tpu.vector_load %arg9[%get3A_675, %get3A_676] {strides = array<i32>} : memref<100x128xf32, #tpu.memory_space<vmem>>, vector<1x16xf32>,
        %get3A_678 = vector.shape_cast %get3A_677 : vector<1x16xf32> to vector<16xf32>
        %max3A_679 = arith.maximumf %max3A_637, %get3A_678 : vector<16xf32>
        %get3A_680 = arith.index_cast %scan3A_664 : i32 to index
        %get3A_681 = arith.constant 48 : index
        %get3A_682 = tpu.vector_load %arg9[%get3A_680, %get3A_681] {strides = array<i32>} : memref<100x128xf32, #tpu.memory_space<vmem>>, vector<1x16xf32>,
        %get3A_683 = vector.shape_cast %get3A_682 : vector<1x16xf32> to vector<16xf32>
        %max3A_684 = arith.maximumf %max3A_642, %get3A_683 : vector<16xf32>
        %get3A_685 = arith.index_cast %scan3A_664 : i32 to index
        %get3A_686 = arith.constant 64 : index
        %get3A_687 = tpu.vector_load %arg9[%get3A_685, %get3A_686] {strides = array<i32>} : memref<100x128xf32, #tpu.memory_space<vmem>>, vector<1x16xf32>,
        %get3A_688 = vector.shape_cast %get3A_687 : vector<1x16xf32> to vector<16xf32>
        %max3A_689 = arith.maximumf %max3A_647, %get3A_688 : vector<16xf32>
        %get3A_690 = arith.index_cast %scan3A_664 : i32 to index
        %get3A_691 = arith.constant 80 : index
        %get3A_692 = tpu.vector_load %arg9[%get3A_690, %get3A_691] {strides = array<i32>} : memref<100x128xf32, #tpu.memory_space<vmem>>, vector<1x16xf32>,
        %get3A_693 = vector.shape_cast %get3A_692 : vector<1x16xf32> to vector<16xf32>
        %max3A_694 = arith.maximumf %max3A_652, %get3A_693 : vector<16xf32>
        %get3A_695 = arith.index_cast %scan3A_664 : i32 to index
        %get3A_696 = arith.constant 96 : index
        %get3A_697 = tpu.vector_load %arg9[%get3A_695, %get3A_696] {strides = array<i32>} : memref<100x128xf32, #tpu.memory_space<vmem>>, vector<1x16xf32>,
        %get3A_698 = vector.shape_cast %get3A_697 : vector<1x16xf32> to vector<16xf32>
        %max3A_699 = arith.maximumf %max3A_657, %get3A_698 : vector<16xf32>
        %get3A_700 = arith.index_cast %scan3A_664 : i32 to index
        %get3A_701 = arith.constant 112 : index
        %get3A_702 = tpu.vector_load %arg9[%get3A_700, %get3A_701] {strides = array<i32>} : memref<100x128xf32, #tpu.memory_space<vmem>>, vector<1x16xf32>,
        %get3A_703 = vector.shape_cast %get3A_702 : vector<1x16xf32> to vector<16xf32>
        %max3A_704 = arith.maximumf %max3A_662, %get3A_703 : vector<16xf32>
        %scan3A_705 = arith.constant 2 : i32
        %scan3A_706 = arith.addi %scan3A_614, %scan3A_705 : i32
        %get3A_707 = arith.index_cast %scan3A_706 : i32 to index
        %get3A_708 = arith.constant 0 : index
        %get3A_709 = tpu.vector_load %arg9[%get3A_707, %get3A_708] {strides = array<i32>} : memref<100x128xf32, #tpu.memory_space<vmem>>, vector<1x16xf32>,
        %get3A_710 = vector.shape_cast %get3A_709 : vector<1x16xf32> to vector<16xf32>
        %max3A_711 = arith.maximumf %max3A_669, %get3A_710 : vector<16xf32>
        %get3A_712 = arith.index_cast %scan3A_706 : i32 to index
        %get3A_713 = arith.constant 16 : index
        %get3A_714 = tpu.vector_load %arg9[%get3A_712, %get3A_713] {strides = array<i32>} : memref<100x128xf32, #tpu.memory_space<vmem>>, vector<1x16xf32>,
        %get3A_715 = vector.shape_cast %get3A_714 : vector<1x16xf32> to vector<16xf32>
        %max3A_716 = arith.maximumf %max3A_674, %get3A_715 : vector<16xf32>
        %get3A_717 = arith.index_cast %scan3A_706 : i32 to index
        %get3A_718 = arith.constant 32 : index
        %get3A_719 = tpu.vector_load %arg9[%get3A_717, %get3A_718] {strides = array<i32>} : memref<100x128xf32, #tpu.memory_space<vmem>>, vector<1x16xf32>,
        %get3A_720 = vector.shape_cast %get3A_719 : vector<1x16xf32> to vector<16xf32>
        %max3A_721 = arith.maximumf %max3A_679, %get3A_720 : vector<16xf32>
        %get3A_722 = arith.index_cast %scan3A_706 : i32 to index
        %get3A_723 = arith.constant 48 : index
        %get3A_724 = tpu.vector_load %arg9[%get3A_722, %get3A_723] {strides = array<i32>} : memref<100x128xf32, #tpu.memory_space<vmem>>, vector<1x16xf32>,
        %get3A_725 = vector.shape_cast %get3A_724 : vector<1x16xf32> to vector<16xf32>
        %max3A_726 = arith.maximumf %max3A_684, %get3A_725 : vector<16xf32>
        %get3A_727 = arith.index_cast %scan3A_706 : i32 to index
        %get3A_728 = arith.constant 64 : index
        %get3A_729 = tpu.vector_load %arg9[%get3A_727, %get3A_728] {strides = array<i32>} : memref<100x128xf32, #tpu.memory_space<vmem>>, vector<1x16xf32>,
        %get3A_730 = vector.shape_cast %get3A_729 : vector<1x16xf32> to vector<16xf32>
        %max3A_731 = arith.maximumf %max3A_689, %get3A_730 : vector<16xf32>
        %get3A_732 = arith.index_cast %scan3A_706 : i32 to index
        %get3A_733 = arith.constant 80 : index
        %get3A_734 = tpu.vector_load %arg9[%get3A_732, %get3A_733] {strides = array<i32>} : memref<100x128xf32, #tpu.memory_space<vmem>>, vector<1x16xf32>,
        %get3A_735 = vector.shape_cast %get3A_734 : vector<1x16xf32> to vector<16xf32>
        %max3A_736 = arith.maximumf %max3A_694, %get3A_735 : vector<16xf32>
        %get3A_737 = arith.index_cast %scan3A_706 : i32 to index
        %get3A_738 = arith.constant 96 : index
        %get3A_739 = tpu.vector_load %arg9[%get3A_737, %get3A_738] {strides = array<i32>} : memref<100x128xf32, #tpu.memory_space<vmem>>, vector<1x16xf32>,
        %get3A_740 = vector.shape_cast %get3A_739 : vector<1x16xf32> to vector<16xf32>
        %max3A_741 = arith.maximumf %max3A_699, %get3A_740 : vector<16xf32>
        %get3A_742 = arith.index_cast %scan3A_706 : i32 to index
        %get3A_743 = arith.constant 112 : index
        %get3A_744 = tpu.vector_load %arg9[%get3A_742, %get3A_743] {strides = array<i32>} : memref<100x128xf32, #tpu.memory_space<vmem>>, vector<1x16xf32>,
        %get3A_745 = vector.shape_cast %get3A_744 : vector<1x16xf32> to vector<16xf32>
        %max3A_746 = arith.maximumf %max3A_704, %get3A_745 : vector<16xf32>
        scf.yield %max3A_711, %max3A_716, %max3A_721, %max3A_726, %max3A_731, %max3A_736, %max3A_741, %max3A_746 : vector<16xf32>, vector<16xf32>, vector<16xf32>, vector<16xf32>, vector<16xf32>, vector<16xf32>, vector<16xf32>, vector<16xf32>
      }
      %scan3A_500 = arith.constant 99 : i32
      %jit3A_501 = arith.constant 2 : i32
      %div3A_502 = arith.divsi %add3A_448, %jit3A_501 : i32
      %sign3A_503 = arith.constant 0 : i32
      %sign3A_504 = arith.cmpi sgt, %add3A_448, %sign3A_503 : i32
      %sign3A_505 = arith.extui %sign3A_504 : i1 to i32
      %sign3A_506 = arith.constant 0 : i32
      %sign3A_507 = arith.cmpi slt, %add3A_448, %sign3A_506 : i32
      %sign3A_508 = arith.extui %sign3A_507 : i1 to i32
      %sign3A_509 = arith.subi %sign3A_505, %sign3A_508 : i32
      %sign3A_510 = arith.constant 0 : i32
      %sign3A_511 = arith.cmpi sgt, %jit3A_501, %sign3A_510 : i32
      %sign3A_512 = arith.extui %sign3A_511 : i1 to i32
      %sign3A_513 = arith.constant 0 : i32
      %sign3A_514 = arith.cmpi slt, %jit3A_501, %sign3A_513 : i32
      %sign3A_515 = arith.extui %sign3A_514 : i1 to i32
      %sign3A_516 = arith.subi %sign3A_512, %sign3A_515 : i32
      %ne3A_517 = arith.cmpi ne, %sign3A_509, %sign3A_516 : i32
      %rem3A_518 = arith.remsi %add3A_448, %jit3A_501 : i32
      %ne3A_519 = arith.constant 0 : i32
      %ne3A_520 = arith.cmpi ne, %rem3A_518, %ne3A_519 : i32
      %and3A_521 = arith.andi %ne3A_517, %ne3A_520 : i1
      %sub3A_522 = arith.constant 1 : i32
      %sub3A_523 = arith.subi %div3A_502, %sub3A_522 : i32
      %select_n3A_524 = arith.select %and3A_521, %sub3A_523, %div3A_502 : i32
      %get3A_525 = arith.index_cast %select_n3A_524 : i32 to index
      %get3A_526 = arith.constant 0 : index
      %get3A_527 = tpu.vector_load %arg10[%get3A_525, %get3A_526] {strides = array<i32>} : memref<32x128xf32, #tpu.memory_space<vmem>>, vector<1x16xf32>,
      %get3A_528 = vector.shape_cast %get3A_527 : vector<1x16xf32> to vector<16xf32>
      %max3A_529 = arith.maximumf %get3A_528, %scan3A_499#0 : vector<16xf32>
      %swap3A_530 = arith.index_cast %select_n3A_524 : i32 to index
      %swap3A_531 = arith.constant 0 : index
      %swap3A_532 = tpu.vector_load %arg10[%swap3A_530, %swap3A_531] {strides = array<i32>} : memref<32x128xf32, #tpu.memory_space<vmem>>, vector<1x16xf32>,
      %swap3A_533 = vector.shape_cast %swap3A_532 : vector<1x16xf32> to vector<16xf32>
      %swap3A_534 = vector.shape_cast %max3A_529 : vector<16xf32> to vector<1x16xf32>
      tpu.vector_store %arg10[%swap3A_530, %swap3A_531], %swap3A_534 {strides = array<i32>} : memref<32x128xf32, #tpu.memory_space<vmem>>, vector<1x16xf32>,
      %get3A_535 = arith.index_cast %select_n3A_524 : i32 to index
      %get3A_536 = arith.constant 16 : index
      %get3A_537 = tpu.vector_load %arg10[%get3A_535, %get3A_536] {strides = array<i32>} : memref<32x128xf32, #tpu.memory_space<vmem>>, vector<1x16xf32>,
      %get3A_538 = vector.shape_cast %get3A_537 : vector<1x16xf32> to vector<16xf32>
      %max3A_539 = arith.maximumf %get3A_538, %scan3A_499#1 : vector<16xf32>
      %swap3A_540 = arith.index_cast %select_n3A_524 : i32 to index
      %swap3A_541 = arith.constant 16 : index
      %swap3A_542 = tpu.vector_load %arg10[%swap3A_540, %swap3A_541] {strides = array<i32>} : memref<32x128xf32, #tpu.memory_space<vmem>>, vector<1x16xf32>,
      %swap3A_543 = vector.shape_cast %swap3A_542 : vector<1x16xf32> to vector<16xf32>
      %swap3A_544 = vector.shape_cast %max3A_539 : vector<16xf32> to vector<1x16xf32>
      tpu.vector_store %arg10[%swap3A_540, %swap3A_541], %swap3A_544 {strides = array<i32>} : memref<32x128xf32, #tpu.memory_space<vmem>>, vector<1x16xf32>,
      %get3A_545 = arith.index_cast %select_n3A_524 : i32 to index
      %get3A_546 = arith.constant 32 : index
      %get3A_547 = tpu.vector_load %arg10[%get3A_545, %get3A_546] {strides = array<i32>} : memref<32x128xf32, #tpu.memory_space<vmem>>, vector<1x16xf32>,
      %get3A_548 = vector.shape_cast %get3A_547 : vector<1x16xf32> to vector<16xf32>
      %max3A_549 = arith.maximumf %get3A_548, %scan3A_499#2 : vector<16xf32>
      %swap3A_550 = arith.index_cast %select_n3A_524 : i32 to index
      %swap3A_551 = arith.constant 32 : index
      %swap3A_552 = tpu.vector_load %arg10[%swap3A_550, %swap3A_551] {strides = array<i32>} : memref<32x128xf32, #tpu.memory_space<vmem>>, vector<1x16xf32>,
      %swap3A_553 = vector.shape_cast %swap3A_552 : vector<1x16xf32> to vector<16xf32>
      %swap3A_554 = vector.shape_cast %max3A_549 : vector<16xf32> to vector<1x16xf32>
      tpu.vector_store %arg10[%swap3A_550, %swap3A_551], %swap3A_554 {strides = array<i32>} : memref<32x128xf32, #tpu.memory_space<vmem>>, vector<1x16xf32>,
      %get3A_555 = arith.index_cast %select_n3A_524 : i32 to index
      %get3A_556 = arith.constant 48 : index
      %get3A_557 = tpu.vector_load %arg10[%get3A_555, %get3A_556] {strides = array<i32>} : memref<32x128xf32, #tpu.memory_space<vmem>>, vector<1x16xf32>,
      %get3A_558 = vector.shape_cast %get3A_557 : vector<1x16xf32> to vector<16xf32>
      %max3A_559 = arith.maximumf %get3A_558, %scan3A_499#3 : vector<16xf32>
      %swap3A_560 = arith.index_cast %select_n3A_524 : i32 to index
      %swap3A_561 = arith.constant 48 : index
      %swap3A_562 = tpu.vector_load %arg10[%swap3A_560, %swap3A_561] {strides = array<i32>} : memref<32x128xf32, #tpu.memory_space<vmem>>, vector<1x16xf32>,
      %swap3A_563 = vector.shape_cast %swap3A_562 : vector<1x16xf32> to vector<16xf32>
      %swap3A_564 = vector.shape_cast %max3A_559 : vector<16xf32> to vector<1x16xf32>
      tpu.vector_store %arg10[%swap3A_560, %swap3A_561], %swap3A_564 {strides = array<i32>} : memref<32x128xf32, #tpu.memory_space<vmem>>, vector<1x16xf32>,
      %get3A_565 = arith.index_cast %select_n3A_524 : i32 to index
      %get3A_566 = arith.constant 64 : index
      %get3A_567 = tpu.vector_load %arg10[%get3A_565, %get3A_566] {strides = array<i32>} : memref<32x128xf32, #tpu.memory_space<vmem>>, vector<1x16xf32>,
      %get3A_568 = vector.shape_cast %get3A_567 : vector<1x16xf32> to vector<16xf32>
      %max3A_569 = arith.maximumf %get3A_568, %scan3A_499#4 : vector<16xf32>
      %swap3A_570 = arith.index_cast %select_n3A_524 : i32 to index
      %swap3A_571 = arith.constant 64 : index
      %swap3A_572 = tpu.vector_load %arg10[%swap3A_570, %swap3A_571] {strides = array<i32>} : memref<32x128xf32, #tpu.memory_space<vmem>>, vector<1x16xf32>,
      %swap3A_573 = vector.shape_cast %swap3A_572 : vector<1x16xf32> to vector<16xf32>
      %swap3A_574 = vector.shape_cast %max3A_569 : vector<16xf32> to vector<1x16xf32>
      tpu.vector_store %arg10[%swap3A_570, %swap3A_571], %swap3A_574 {strides = array<i32>} : memref<32x128xf32, #tpu.memory_space<vmem>>, vector<1x16xf32>,
      %get3A_575 = arith.index_cast %select_n3A_524 : i32 to index
      %get3A_576 = arith.constant 80 : index
      %get3A_577 = tpu.vector_load %arg10[%get3A_575, %get3A_576] {strides = array<i32>} : memref<32x128xf32, #tpu.memory_space<vmem>>, vector<1x16xf32>,
      %get3A_578 = vector.shape_cast %get3A_577 : vector<1x16xf32> to vector<16xf32>
      %max3A_579 = arith.maximumf %get3A_578, %scan3A_499#5 : vector<16xf32>
      %swap3A_580 = arith.index_cast %select_n3A_524 : i32 to index
      %swap3A_581 = arith.constant 80 : index
      %swap3A_582 = tpu.vector_load %arg10[%swap3A_580, %swap3A_581] {strides = array<i32>} : memref<32x128xf32, #tpu.memory_space<vmem>>, vector<1x16xf32>,
      %swap3A_583 = vector.shape_cast %swap3A_582 : vector<1x16xf32> to vector<16xf32>
      %swap3A_584 = vector.shape_cast %max3A_579 : vector<16xf32> to vector<1x16xf32>
      tpu.vector_store %arg10[%swap3A_580, %swap3A_581], %swap3A_584 {strides = array<i32>} : memref<32x128xf32, #tpu.memory_space<vmem>>, vector<1x16xf32>,
      %get3A_585 = arith.index_cast %select_n3A_524 : i32 to index
      %get3A_586 = arith.constant 96 : index
      %get3A_587 = tpu.vector_load %arg10[%get3A_585, %get3A_586] {strides = array<i32>} : memref<32x128xf32, #tpu.memory_space<vmem>>, vector<1x16xf32>,
      %get3A_588 = vector.shape_cast %get3A_587 : vector<1x16xf32> to vector<16xf32>
      %max3A_589 = arith.maximumf %get3A_588, %scan3A_499#6 : vector<16xf32>
      %swap3A_590 = arith.index_cast %select_n3A_524 : i32 to index
      %swap3A_591 = arith.constant 96 : index
      %swap3A_592 = tpu.vector_load %arg10[%swap3A_590, %swap3A_591] {strides = array<i32>} : memref<32x128xf32, #tpu.memory_space<vmem>>, vector<1x16xf32>,
      %swap3A_593 = vector.shape_cast %swap3A_592 : vector<1x16xf32> to vector<16xf32>
      %swap3A_594 = vector.shape_cast %max3A_589 : vector<16xf32> to vector<1x16xf32>
      tpu.vector_store %arg10[%swap3A_590, %swap3A_591], %swap3A_594 {strides = array<i32>} : memref<32x128xf32, #tpu.memory_space<vmem>>, vector<1x16xf32>,
      %get3A_595 = arith.index_cast %select_n3A_524 : i32 to index
      %get3A_596 = arith.constant 112 : index
      %get3A_597 = tpu.vector_load %arg10[%get3A_595, %get3A_596] {strides = array<i32>} : memref<32x128xf32, #tpu.memory_space<vmem>>, vector<1x16xf32>,
      %get3A_598 = vector.shape_cast %get3A_597 : vector<1x16xf32> to vector<16xf32>
      %max3A_599 = arith.maximumf %get3A_598, %scan3A_499#7 : vector<16xf32>
      %swap3A_600 = arith.index_cast %select_n3A_524 : i32 to index
      %swap3A_601 = arith.constant 112 : index
      %swap3A_602 = tpu.vector_load %arg10[%swap3A_600, %swap3A_601] {strides = array<i32>} : memref<32x128xf32, #tpu.memory_space<vmem>>, vector<1x16xf32>,
      %swap3A_603 = vector.shape_cast %swap3A_602 : vector<1x16xf32> to vector<16xf32>
      %swap3A_604 = vector.shape_cast %max3A_599 : vector<16xf32> to vector<1x16xf32>
      tpu.vector_store %arg10[%swap3A_600, %swap3A_601], %swap3A_604 {strides = array<i32>} : memref<32x128xf32, #tpu.memory_space<vmem>>, vector<1x16xf32>,
      %add3A_605 = arith.constant 3 : i32
      %add3A_606 = arith.addi %add3A_40, %add3A_605 : i32
      %add3A_607 = arith.constant 4 : i32
      %add3A_608 = arith.addi %add3A_606, %add3A_607 : i32
      %lt3A_609 = arith.constant 64 : i32
      %lt3A_610 = arith.cmpi slt, %add3A_608, %lt3A_609 : i32
      %convert_element_type3A_611 = arith.extui %lt3A_610 : i1 to i32
      %cond3A_612 = arith.constant 0 : i32
      %cond3A_613 = arith.cmpi ne, %convert_element_type3A_611, %cond3A_612 : i32
      scf.if %cond3A_613 {
        %add3A_614 = arith.constant 3 : i32
        %add3A_615 = arith.addi %add3A_40, %add3A_614 : i32
        %add3A_616 = arith.constant 4 : i32
        %add3A_617 = arith.addi %add3A_615, %add3A_616 : i32
        %dma_start3A_618 = arith.constant 0 : i32
        %dma_start3A_619 = tpu.memref_slice %arg5[%add3A_617, %dma_start3A_618] : memref<64x100xi32, #tpu.memory_space<vmem>> -> memref<1x100xi32, #tpu.memory_space<vmem>>
        %dma_start3A_620 = tpu.memref_squeeze %dma_start3A_619 : memref<1x100xi32, #tpu.memory_space<vmem>> -> memref<100xi32, #tpu.memory_space<vmem>>
        %dma_start3A_621 = arith.constant 0 : i32
        %dma_start3A_622 = arith.constant 0 : i32
        %dma_start3A_623 = tpu.memref_slice %arg3[%dma_start3A_621, %dma_start3A_622] : memref<1000000x128xf32, #tpu.memory_space<hbm>> -> memref<1000000x128xf32, #tpu.memory_space<hbm>>
        tpu.enqueue_indirect_dma source(%dma_start3A_623 : memref<1000000x128xf32, #tpu.memory_space<hbm>>) target(%arg9 : memref<100x128xf32, #tpu.memory_space<vmem>>) offsets(%dma_start3A_620 : memref<100xi32, #tpu.memory_space<vmem>>) semaphore(%arg14 : memref<!tpu.dma_semaphore, #tpu.memory_space<semaphore_mem>>)
      } else {
      }
    }
    %scan3A_35 = arith.constant 16 : i32
    "tpu.region"() ({
      %run_scoped3A = tpu.sem_alloc : memref<!tpu.dma_semaphore, #tpu.memory_space<semaphore_mem>>
      %dma_start3A_36 = arith.constant 0 : i32
      %dma_start3A_37 = tpu.memref_slice %arg4[%mul3A_2, %dma_start3A_36] : memref<1024x128xf32, #tpu.memory_space<hbm>> -> memref<32x128xf32, #tpu.memory_space<hbm>>
      %dma_start3A_38 = arith.constant 0 : i32
      %dma_start3A_39 = tpu.memref_slice %arg4[%mul3A_2, %dma_start3A_38] : memref<1024x128xf32, #tpu.memory_space<hbm>> -> memref<32x128xf32, #tpu.memory_space<hbm>>
      tpu.enqueue_dma source(%arg10 : memref<32x128xf32, #tpu.memory_space<vmem>>) target(%dma_start3A_39 : memref<32x128xf32, #tpu.memory_space<hbm>>) target_semaphore(%run_scoped3A : memref<!tpu.dma_semaphore, #tpu.memory_space<semaphore_mem>>)
      %dma_wait3A = arith.constant 0 : i32
      %dma_wait3A_40 = tpu.memref_slice %arg4[%mul3A_2, %dma_wait3A] : memref<1024x128xf32, #tpu.memory_space<hbm>> -> memref<32x128xf32, #tpu.memory_space<hbm>>
      %dma_wait3A_41 = arith.constant 0 : i32
      %dma_wait3A_42 = tpu.memref_slice %arg4[%mul3A_2, %dma_wait3A_41] : memref<1024x128xf32, #tpu.memory_space<hbm>> -> memref<32x128xf32, #tpu.memory_space<hbm>>
      tpu.wait_dma2 semaphore(%run_scoped3A : memref<!tpu.dma_semaphore, #tpu.memory_space<semaphore_mem>>) src(%arg10 : memref<32x128xf32, #tpu.memory_space<vmem>>) dst(%dma_wait3A_42 : memref<32x128xf32, #tpu.memory_space<hbm>>)
      tpu.yield
    }) : () -> ()
    return
  }
}

module attributes {stable_mosaic.version = 14 : i64} {
  func.func @_mlp_body(%arg0: i32, %arg1: memref<512x128xf32, #tpu.memory_space<vmem>>, %arg2: memref<512x128xf32, #tpu.memory_space<vmem>>, %arg3: memref<512x512xf32, #tpu.memory_space<vmem>>, %arg4: memref<1000x512xf32, #tpu.memory_space<vmem>>, %arg5: memref<1x512xf32, #tpu.memory_space<vmem>>, %arg6: memref<1x512xf32, #tpu.memory_space<vmem>>, %arg7: memref<1x512xf32, #tpu.memory_space<vmem>>, %arg8: memref<1x512xf32, #tpu.memory_space<vmem>>, %arg9: memref<1x512xf32, #tpu.memory_space<vmem>>, %arg10: memref<1x512xf32, #tpu.memory_space<vmem>>, %arg11: memref<1x512xf32, #tpu.memory_space<vmem>>, %arg12: memref<1x512xf32, #tpu.memory_space<vmem>>, %arg13: memref<1x512xf32, #tpu.memory_space<vmem>>, %arg14: memref<1x512xf32, #tpu.memory_space<vmem>>, %arg15: memref<1x1000xf32, #tpu.memory_space<vmem>>, %arg16: memref<1x1000xf32, #tpu.memory_space<vmem>>, %arg17: memref<1x1000xf32, #tpu.memory_space<vmem>>, %arg18: memref<1x1000xf32, #tpu.memory_space<vmem>>, %arg19: memref<1x1000xf32, #tpu.memory_space<vmem>>, %arg20: memref<512x1000xf32, #tpu.memory_space<vmem>>) attributes {dimension_semantics = [#tpu.dimension_semantics<arbitrary>], iteration_bounds = array<i64: 2>, scalar_prefetch = 0 : i64, scratch_operands = 0 : i64, tpu.core_type = #tpu.core_type<tc>, window_params = [{transform_indices = @transform_0, window_bounds = array<i64: 512, 128>}, {pipeline_mode = #tpu.pipeline_mode<synchronous>, transform_indices = @transform_1, window_bounds = array<i64: 512, 128>}, {pipeline_mode = #tpu.pipeline_mode<synchronous>, transform_indices = @transform_2, window_bounds = array<i64: 512, 512>}, {pipeline_mode = #tpu.pipeline_mode<synchronous>, transform_indices = @transform_3, window_bounds = array<i64: 1000, 512>}, {pipeline_mode = #tpu.pipeline_mode<synchronous>, transform_indices = @transform_4, window_bounds = array<i64: 1, 512>}, {pipeline_mode = #tpu.pipeline_mode<synchronous>, transform_indices = @transform_5, window_bounds = array<i64: 1, 512>}, {pipeline_mode = #tpu.pipeline_mode<synchronous>, transform_indices = @transform_6, window_bounds = array<i64: 1, 512>}, {pipeline_mode = #tpu.pipeline_mode<synchronous>, transform_indices = @transform_7, window_bounds = array<i64: 1, 512>}, {pipeline_mode = #tpu.pipeline_mode<synchronous>, transform_indices = @transform_8, window_bounds = array<i64: 1, 512>}, {pipeline_mode = #tpu.pipeline_mode<synchronous>, transform_indices = @transform_9, window_bounds = array<i64: 1, 512>}, {pipeline_mode = #tpu.pipeline_mode<synchronous>, transform_indices = @transform_10, window_bounds = array<i64: 1, 512>}, {pipeline_mode = #tpu.pipeline_mode<synchronous>, transform_indices = @transform_11, window_bounds = array<i64: 1, 512>}, {pipeline_mode = #tpu.pipeline_mode<synchronous>, transform_indices = @transform_12, window_bounds = array<i64: 1, 512>}, {pipeline_mode = #tpu.pipeline_mode<synchronous>, transform_indices = @transform_13, window_bounds = array<i64: 1, 512>}, {pipeline_mode = #tpu.pipeline_mode<synchronous>, transform_indices = @transform_14, window_bounds = array<i64: 1, 1000>}, {pipeline_mode = #tpu.pipeline_mode<synchronous>, transform_indices = @transform_15, window_bounds = array<i64: 1, 1000>}, {pipeline_mode = #tpu.pipeline_mode<synchronous>, transform_indices = @transform_16, window_bounds = array<i64: 1, 1000>}, {pipeline_mode = #tpu.pipeline_mode<synchronous>, transform_indices = @transform_17, window_bounds = array<i64: 1, 1000>}, {pipeline_mode = #tpu.pipeline_mode<synchronous>, transform_indices = @transform_18, window_bounds = array<i64: 1, 1000>}, {transform_indices = @transform_19, window_bounds = array<i64: 512, 1000>}]} {
    %get3A = arith.constant 0 : index
    %get3A_0 = arith.constant 0 : index
    %get3A_1 = vector.load %arg1[%get3A, %get3A_0] : memref<512x128xf32, #tpu.memory_space<vmem>>, vector<512x128xf32>
    %get3A_2 = arith.constant 0 : index
    %get3A_3 = arith.constant 0 : index
    %get3A_4 = vector.load %arg2[%get3A_2, %get3A_3] : memref<512x128xf32, #tpu.memory_space<vmem>>, vector<512x128xf32>
    %dot_general3A = arith.constant dense<0.000000e+00> : vector<512x512xf32>
    %dot_general3A_5 = tpu.matmul %get3A_1, %get3A_4, %dot_general3A {dimension_numbers = #tpu.dot_dimension_numbers<[1], [1], [0], [0], [0, 0, 1, 0], [], []>, transpose_lhs_hint = false} : vector<512x128xf32>, vector<512x128xf32>, vector<512x512xf32> -> vector<512x512xf32>
    %get3A_6 = arith.constant 0 : index
    %get3A_7 = arith.constant 0 : index
    %get3A_8 = vector.load %arg5[%get3A_6, %get3A_7] : memref<1x512xf32, #tpu.memory_space<vmem>>, vector<1x512xf32>
    %add3A = vector.broadcast %get3A_8 : vector<1x512xf32> to vector<512x512xf32>
    %add3A_9 = arith.addf %dot_general3A_5, %add3A : vector<512x512xf32>
    %get3A_10 = arith.constant 0 : index
    %get3A_11 = arith.constant 0 : index
    %get3A_12 = vector.load %arg8[%get3A_10, %get3A_11] : memref<1x512xf32, #tpu.memory_space<vmem>>, vector<1x512xf32>
    %sub3A = vector.broadcast %get3A_12 : vector<1x512xf32> to vector<512x512xf32>
    %sub3A_13 = arith.subf %add3A_9, %sub3A : vector<512x512xf32>
    %get3A_14 = arith.constant 0 : index
    %get3A_15 = arith.constant 0 : index
    %get3A_16 = vector.load %arg9[%get3A_14, %get3A_15] : memref<1x512xf32, #tpu.memory_space<vmem>>, vector<1x512xf32>
    %add3A_17 = arith.constant 9.99999974E-6 : f32
    %add3A_18 = vector.broadcast %add3A_17 : f32 to vector<1x512xf32>
    %add3A_19 = arith.addf %get3A_16, %add3A_18 : vector<1x512xf32>
    %sqrt3A = math.sqrt %add3A_19 : vector<1x512xf32>
    %div3A = vector.broadcast %sqrt3A : vector<1x512xf32> to vector<512x512xf32>
    %div3A_20 = arith.divf %sub3A_13, %div3A : vector<512x512xf32>
    %get3A_21 = arith.constant 0 : index
    %get3A_22 = arith.constant 0 : index
    %get3A_23 = vector.load %arg6[%get3A_21, %get3A_22] : memref<1x512xf32, #tpu.memory_space<vmem>>, vector<1x512xf32>
    %mul3A = vector.broadcast %get3A_23 : vector<1x512xf32> to vector<512x512xf32>
    %mul3A_24 = arith.mulf %div3A_20, %mul3A : vector<512x512xf32>
    %get3A_25 = arith.constant 0 : index
    %get3A_26 = arith.constant 0 : index
    %get3A_27 = vector.load %arg7[%get3A_25, %get3A_26] : memref<1x512xf32, #tpu.memory_space<vmem>>, vector<1x512xf32>
    %add3A_28 = vector.broadcast %get3A_27 : vector<1x512xf32> to vector<512x512xf32>
    %add3A_29 = arith.addf %mul3A_24, %add3A_28 : vector<512x512xf32>
    %gt3A = arith.constant 0.000000e+00 : f32
    %gt3A_30 = vector.broadcast %gt3A : f32 to vector<512x512xf32>
    %gt3A_31 = arith.cmpf ogt, %add3A_29, %gt3A_30 : vector<512x512xf32>
    %exp3A = math.exp %add3A_29 : vector<512x512xf32>
    %sub3A_32 = arith.constant 1.000000e+00 : f32
    %sub3A_33 = vector.broadcast %sub3A_32 : f32 to vector<512x512xf32>
    %sub3A_34 = arith.subf %exp3A, %sub3A_33 : vector<512x512xf32>
    %select_n3A = arith.select %gt3A_31, %add3A_29, %sub3A_34 : vector<512x512xi1>, vector<512x512xf32>
    %get3A_35 = arith.constant 0 : index
    %get3A_36 = arith.constant 0 : index
    %get3A_37 = vector.load %arg3[%get3A_35, %get3A_36] : memref<512x512xf32, #tpu.memory_space<vmem>>, vector<512x512xf32>
    %dot_general3A_38 = arith.constant dense<0.000000e+00> : vector<512x512xf32>
    %dot_general3A_39 = tpu.matmul %select_n3A, %get3A_37, %dot_general3A_38 {dimension_numbers = #tpu.dot_dimension_numbers<[1], [1], [0], [0], [0, 0, 1, 0], [], []>, transpose_lhs_hint = false} : vector<512x512xf32>, vector<512x512xf32>, vector<512x512xf32> -> vector<512x512xf32>
    %get3A_40 = arith.constant 0 : index
    %get3A_41 = arith.constant 0 : index
    %get3A_42 = vector.load %arg10[%get3A_40, %get3A_41] : memref<1x512xf32, #tpu.memory_space<vmem>>, vector<1x512xf32>
    %add3A_43 = vector.broadcast %get3A_42 : vector<1x512xf32> to vector<512x512xf32>
    %add3A_44 = arith.addf %dot_general3A_39, %add3A_43 : vector<512x512xf32>
    %get3A_45 = arith.constant 0 : index
    %get3A_46 = arith.constant 0 : index
    %get3A_47 = vector.load %arg13[%get3A_45, %get3A_46] : memref<1x512xf32, #tpu.memory_space<vmem>>, vector<1x512xf32>
    %sub3A_48 = vector.broadcast %get3A_47 : vector<1x512xf32> to vector<512x512xf32>
    %sub3A_49 = arith.subf %add3A_44, %sub3A_48 : vector<512x512xf32>
    %get3A_50 = arith.constant 0 : index
    %get3A_51 = arith.constant 0 : index
    %get3A_52 = vector.load %arg14[%get3A_50, %get3A_51] : memref<1x512xf32, #tpu.memory_space<vmem>>, vector<1x512xf32>
    %add3A_53 = arith.constant 9.99999974E-6 : f32
    %add3A_54 = vector.broadcast %add3A_53 : f32 to vector<1x512xf32>
    %add3A_55 = arith.addf %get3A_52, %add3A_54 : vector<1x512xf32>
    %sqrt3A_56 = math.sqrt %add3A_55 : vector<1x512xf32>
    %div3A_57 = vector.broadcast %sqrt3A_56 : vector<1x512xf32> to vector<512x512xf32>
    %div3A_58 = arith.divf %sub3A_49, %div3A_57 : vector<512x512xf32>
    %get3A_59 = arith.constant 0 : index
    %get3A_60 = arith.constant 0 : index
    %get3A_61 = vector.load %arg11[%get3A_59, %get3A_60] : memref<1x512xf32, #tpu.memory_space<vmem>>, vector<1x512xf32>
    %mul3A_62 = vector.broadcast %get3A_61 : vector<1x512xf32> to vector<512x512xf32>
    %mul3A_63 = arith.mulf %div3A_58, %mul3A_62 : vector<512x512xf32>
    %get3A_64 = arith.constant 0 : index
    %get3A_65 = arith.constant 0 : index
    %get3A_66 = vector.load %arg12[%get3A_64, %get3A_65] : memref<1x512xf32, #tpu.memory_space<vmem>>, vector<1x512xf32>
    %add3A_67 = vector.broadcast %get3A_66 : vector<1x512xf32> to vector<512x512xf32>
    %add3A_68 = arith.addf %mul3A_63, %add3A_67 : vector<512x512xf32>
    %gt3A_69 = arith.constant 0.000000e+00 : f32
    %gt3A_70 = vector.broadcast %gt3A_69 : f32 to vector<512x512xf32>
    %gt3A_71 = arith.cmpf ogt, %add3A_68, %gt3A_70 : vector<512x512xf32>
    %exp3A_72 = math.exp %add3A_68 : vector<512x512xf32>
    %sub3A_73 = arith.constant 1.000000e+00 : f32
    %sub3A_74 = vector.broadcast %sub3A_73 : f32 to vector<512x512xf32>
    %sub3A_75 = arith.subf %exp3A_72, %sub3A_74 : vector<512x512xf32>
    %select_n3A_76 = arith.select %gt3A_71, %add3A_68, %sub3A_75 : vector<512x512xi1>, vector<512x512xf32>
    %get3A_77 = arith.constant 0 : index
    %get3A_78 = arith.constant 0 : index
    %get3A_79 = vector.load %arg4[%get3A_77, %get3A_78] : memref<1000x512xf32, #tpu.memory_space<vmem>>, vector<1000x512xf32>
    %dot_general3A_80 = arith.constant dense<0.000000e+00> : vector<512x1000xf32>
    %dot_general3A_81 = tpu.matmul %select_n3A_76, %get3A_79, %dot_general3A_80 {dimension_numbers = #tpu.dot_dimension_numbers<[1], [1], [0], [0], [0, 0, 1, 0], [], []>, transpose_lhs_hint = false} : vector<512x512xf32>, vector<1000x512xf32>, vector<512x1000xf32> -> vector<512x1000xf32>
    %get3A_82 = arith.constant 0 : index
    %get3A_83 = arith.constant 0 : index
    %get3A_84 = vector.load %arg15[%get3A_82, %get3A_83] : memref<1x1000xf32, #tpu.memory_space<vmem>>, vector<1x1000xf32>
    %add3A_85 = vector.broadcast %get3A_84 : vector<1x1000xf32> to vector<512x1000xf32>
    %add3A_86 = arith.addf %dot_general3A_81, %add3A_85 : vector<512x1000xf32>
    %get3A_87 = arith.constant 0 : index
    %get3A_88 = arith.constant 0 : index
    %get3A_89 = vector.load %arg18[%get3A_87, %get3A_88] : memref<1x1000xf32, #tpu.memory_space<vmem>>, vector<1x1000xf32>
    %sub3A_90 = vector.broadcast %get3A_89 : vector<1x1000xf32> to vector<512x1000xf32>
    %sub3A_91 = arith.subf %add3A_86, %sub3A_90 : vector<512x1000xf32>
    %get3A_92 = arith.constant 0 : index
    %get3A_93 = arith.constant 0 : index
    %get3A_94 = vector.load %arg19[%get3A_92, %get3A_93] : memref<1x1000xf32, #tpu.memory_space<vmem>>, vector<1x1000xf32>
    %add3A_95 = arith.constant 9.99999974E-6 : f32
    %add3A_96 = vector.broadcast %add3A_95 : f32 to vector<1x1000xf32>
    %add3A_97 = arith.addf %get3A_94, %add3A_96 : vector<1x1000xf32>
    %sqrt3A_98 = math.sqrt %add3A_97 : vector<1x1000xf32>
    %div3A_99 = vector.broadcast %sqrt3A_98 : vector<1x1000xf32> to vector<512x1000xf32>
    %div3A_100 = arith.divf %sub3A_91, %div3A_99 : vector<512x1000xf32>
    %get3A_101 = arith.constant 0 : index
    %get3A_102 = arith.constant 0 : index
    %get3A_103 = vector.load %arg16[%get3A_101, %get3A_102] : memref<1x1000xf32, #tpu.memory_space<vmem>>, vector<1x1000xf32>
    %mul3A_104 = vector.broadcast %get3A_103 : vector<1x1000xf32> to vector<512x1000xf32>
    %mul3A_105 = arith.mulf %div3A_100, %mul3A_104 : vector<512x1000xf32>
    %get3A_106 = arith.constant 0 : index
    %get3A_107 = arith.constant 0 : index
    %get3A_108 = vector.load %arg17[%get3A_106, %get3A_107] : memref<1x1000xf32, #tpu.memory_space<vmem>>, vector<1x1000xf32>
    %add3A_109 = vector.broadcast %get3A_108 : vector<1x1000xf32> to vector<512x1000xf32>
    %add3A_110 = arith.addf %mul3A_105, %add3A_109 : vector<512x1000xf32>
    %swap3A = arith.constant 0 : index
    %swap3A_111 = arith.constant 0 : index
    %swap3A_112 = vector.load %arg20[%swap3A, %swap3A_111] : memref<512x1000xf32, #tpu.memory_space<vmem>>, vector<512x1000xf32>
    tpu.vector_store %arg20[%swap3A, %swap3A_111], %add3A_110 {strides = array<i32>} : memref<512x1000xf32, #tpu.memory_space<vmem>>, vector<512x1000xf32>,
    return
  }
  func.func @transform_0(%arg0: i32) -> (i32, i32) {
    %c0_i32 = arith.constant 0 : i32
    %c0_i32_0 = arith.constant 0 : i32
    return %arg0, %c0_i32 : i32, i32
  }
  func.func @transform_1(%arg0: i32) -> (i32, i32) {
    %c0_i32 = arith.constant 0 : i32
    %c0_i32_0 = arith.constant 0 : i32
    %c0_i32_1 = arith.constant 0 : i32
    return %c0_i32, %c0_i32_0 : i32, i32
  }
  func.func @transform_2(%arg0: i32) -> (i32, i32) {
    %c0_i32 = arith.constant 0 : i32
    %c0_i32_0 = arith.constant 0 : i32
    %c0_i32_1 = arith.constant 0 : i32
    return %c0_i32, %c0_i32_0 : i32, i32
  }
  func.func @transform_3(%arg0: i32) -> (i32, i32) {
    %c0_i32 = arith.constant 0 : i32
    %c0_i32_0 = arith.constant 0 : i32
    %c0_i32_1 = arith.constant 0 : i32
    return %c0_i32, %c0_i32_0 : i32, i32
  }
  func.func @transform_4(%arg0: i32) -> (i32, i32) {
    %c0_i32 = arith.constant 0 : i32
    %c0_i32_0 = arith.constant 0 : i32
    %c0_i32_1 = arith.constant 0 : i32
    return %c0_i32, %c0_i32_0 : i32, i32
  }
  func.func @transform_5(%arg0: i32) -> (i32, i32) {
    %c0_i32 = arith.constant 0 : i32
    %c0_i32_0 = arith.constant 0 : i32
    %c0_i32_1 = arith.constant 0 : i32
    return %c0_i32, %c0_i32_0 : i32, i32
  }
  func.func @transform_6(%arg0: i32) -> (i32, i32) {
    %c0_i32 = arith.constant 0 : i32
    %c0_i32_0 = arith.constant 0 : i32
    %c0_i32_1 = arith.constant 0 : i32
    return %c0_i32, %c0_i32_0 : i32, i32
  }
  func.func @transform_7(%arg0: i32) -> (i32, i32) {
    %c0_i32 = arith.constant 0 : i32
    %c0_i32_0 = arith.constant 0 : i32
    %c0_i32_1 = arith.constant 0 : i32
    return %c0_i32, %c0_i32_0 : i32, i32
  }
  func.func @transform_8(%arg0: i32) -> (i32, i32) {
    %c0_i32 = arith.constant 0 : i32
    %c0_i32_0 = arith.constant 0 : i32
    %c0_i32_1 = arith.constant 0 : i32
    return %c0_i32, %c0_i32_0 : i32, i32
  }
  func.func @transform_9(%arg0: i32) -> (i32, i32) {
    %c0_i32 = arith.constant 0 : i32
    %c0_i32_0 = arith.constant 0 : i32
    %c0_i32_1 = arith.constant 0 : i32
    return %c0_i32, %c0_i32_0 : i32, i32
  }
  func.func @transform_10(%arg0: i32) -> (i32, i32) {
    %c0_i32 = arith.constant 0 : i32
    %c0_i32_0 = arith.constant 0 : i32
    %c0_i32_1 = arith.constant 0 : i32
    return %c0_i32, %c0_i32_0 : i32, i32
  }
  func.func @transform_11(%arg0: i32) -> (i32, i32) {
    %c0_i32 = arith.constant 0 : i32
    %c0_i32_0 = arith.constant 0 : i32
    %c0_i32_1 = arith.constant 0 : i32
    return %c0_i32, %c0_i32_0 : i32, i32
  }
  func.func @transform_12(%arg0: i32) -> (i32, i32) {
    %c0_i32 = arith.constant 0 : i32
    %c0_i32_0 = arith.constant 0 : i32
    %c0_i32_1 = arith.constant 0 : i32
    return %c0_i32, %c0_i32_0 : i32, i32
  }
  func.func @transform_13(%arg0: i32) -> (i32, i32) {
    %c0_i32 = arith.constant 0 : i32
    %c0_i32_0 = arith.constant 0 : i32
    %c0_i32_1 = arith.constant 0 : i32
    return %c0_i32, %c0_i32_0 : i32, i32
  }
  func.func @transform_14(%arg0: i32) -> (i32, i32) {
    %c0_i32 = arith.constant 0 : i32
    %c0_i32_0 = arith.constant 0 : i32
    %c0_i32_1 = arith.constant 0 : i32
    return %c0_i32, %c0_i32_0 : i32, i32
  }
  func.func @transform_15(%arg0: i32) -> (i32, i32) {
    %c0_i32 = arith.constant 0 : i32
    %c0_i32_0 = arith.constant 0 : i32
    %c0_i32_1 = arith.constant 0 : i32
    return %c0_i32, %c0_i32_0 : i32, i32
  }
  func.func @transform_16(%arg0: i32) -> (i32, i32) {
    %c0_i32 = arith.constant 0 : i32
    %c0_i32_0 = arith.constant 0 : i32
    %c0_i32_1 = arith.constant 0 : i32
    return %c0_i32, %c0_i32_0 : i32, i32
  }
  func.func @transform_17(%arg0: i32) -> (i32, i32) {
    %c0_i32 = arith.constant 0 : i32
    %c0_i32_0 = arith.constant 0 : i32
    %c0_i32_1 = arith.constant 0 : i32
    return %c0_i32, %c0_i32_0 : i32, i32
  }
  func.func @transform_18(%arg0: i32) -> (i32, i32) {
    %c0_i32 = arith.constant 0 : i32
    %c0_i32_0 = arith.constant 0 : i32
    %c0_i32_1 = arith.constant 0 : i32
    return %c0_i32, %c0_i32_0 : i32, i32
  }
  func.func @transform_19(%arg0: i32) -> (i32, i32) {
    %c0_i32 = arith.constant 0 : i32
    %c0_i32_0 = arith.constant 0 : i32
    return %arg0, %c0_i32 : i32, i32
  }
}

</mosaic_0001>

<sc_bundles>
// kernel: kernel.4.cloned.1.call-start
scs
__scs_entry_jumppad:
0x0: {  	(pc) =	sbr.rel $0x88, $3  }
0x1: {  	(tag) =	ssettag $0x0;
	lr =	simm.s32 $0x1  }
0x2: {  	[smem:$0x3F8D] =	sst lr;
	_ =	strace $0xD0000000  }
0x3: {  	_ = 	snop  }
0x4: {  	_ = 	snop  }
0x5: {  	_ = 	snop  }
0x6: {  	_ = 	snop  }
0x7: {  	_ = 	snop  }
__scs_overlays_trampoline_lowered:
0x8: {  	[smem:$0x3F9C] =	sst s0  }
0x9: {  	[smem:$0x3F9D] =	sst s1  }
0xa: {  	[smem:$0x3F9E] =	sst s2  }
0xb: {  	[smem:$0x3F9F] =	sst s3  }
0xc: {  	[smem:$0x3FA0] =	sst s4  }
0xd: {  	[smem:$0x3FA1] =	sst s5  }
0xe: {  	[smem:$0x3FA2] =	sst s6  }
0xf: {  	[smem:$0x3FA3] =	sst s7  }
0x10: {  	[smem:$0x3FA4] =	sst s8  }
0x11: {  	[smem:$0x3FA5] =	sst s9;
	s0 =	simm.s32 @!p0 $0x0  }
0x12: {  	s1 =	sld [smem:$0x3F8B];
	s0 =	simm.s32 @p0 $0x1  }
0x13: {  	[smem:$0x3FA6] =	sst s0;
	s0 =	simm.s32 @!p1 $0x0  }
0x14: {  	s2 =	sld [smem:$0x3F8A];
	s0 =	simm.s32 @p1 $0x1  }
0x15: {  	[smem:$0x3FA7] =	sst s0;
	s0 =	simm.s32 @!p2 $0x0  }
0x16: {  	s3 =	sld [smem:$0x3FDB];
	s0 =	simm.s32 @p2 $0x1  }
0x17: {  	s4 =	simm.s32 $0x1BF5;
	[smem:$0x3FA9] =	sst s0  }
0x18: {  	s0 =	sld [smem:$0x3F8C];
	_ =	swait.ge [sflag:s4], $0x0  }
0x19: {  	s7 =	sld [smem:$0x3F8D]  }
0x1a: {  	s8 =	sadd.s32 $0xFFFFE003, lr  }
0x1b: {  	s9 =	sadd.s32 $0xFFFFFEF7, lr;
	s5 =	simm.s32 $0xFFFFFFFF;
	p2 =	slt.u32 s8, $0xFFFFF086  }
0x1c: {  	p1 =	slt.u32 s9, $0xF7A;
	s5 =	simm.s32 @!p2 $0x0  }
0x1d: {  	s5 =	simm.s32 @p1 $0x1;
	p0 =	seq.s32 s7, s2  }
0x1e: {  	s7 =	smul.u32 @!p0 $0xF7A, s2;
	p2 =	seq.s32 @!p0 s5, $0x0  }
0x1f: {  	s9 =	smul.u32 $0xF7A, s1;
	s8 =	simm.s32 @!p0 $0x1BF5;
	p2 =	por !p2, p0  }
0x20: {  	[sflag:s8] =	ssyncset.s32 @!p0 $0xFFFFF086;
	s6 =	sadd.s32 @!p0 s3, s7;
	s7 =	simm.s32 @!p0 $0x108  }
0x21: {  	s3 =	sadd.s32 s3, s9;
	s6 =	sadd.s32 @!p0 $0x88, s6;
	s7 =	simm.s32 @p2 $0x1082  }
0x22: {  	[simem:s7], [sflag:s8] =	dma.local @!p0 [hbm:s6], $0xF7A  }
0x23: {  	s9 =	sor.u32 $0xD0000000, s2;
	s6 =	simm.s32 $0x108;
	_ =	swait.ge @!p0 [sflag:s8], $0x0  }
0x24: {  	s3 =	sadd.s32 $0x88, s3;
	s6 =	simm.s32 @!p1 $0x1082;
	[sflag:s4] =	ssyncset.s32 $0xFFFFF086  }
0x25: {  	[simem:s6], [sflag:s4] =	dma.local [hbm:s3], $0xF7A  }
0x26: {  	[smem:$0x3F8D] =	sst s1;
	(tag) =	ssettag s2;
	_ =	strace s9  }
0x27: {  	s1 =	sld [smem:$0x3F9D]  }
0x28: {  	s2 =	sld [smem:$0x3F9E]  }
0x29: {  	s4 =	sld [smem:$0x3FA0]  }
0x2a: {  	p0 =	seq.s32 s5, $0x0;
	s5 =	sld [smem:$0x3FA1]  }
0x2b: {  	s6 =	sld [smem:$0x3FA2]  }
0x2c: {  	s7 =	sld [smem:$0x3FA3]  }
0x2d: {  	s3 =	simm.s32 $0x108;
	s8 =	sld [smem:$0x3FA4]  }
0x2e: {  	s3 =	simm.s32 @!p0 $0x1082;
	s9 =	sld [smem:$0x3FA5]  }
0x2f: {  	lr =	sadd.s32 s0, s3;
	s0 =	sld [smem:$0x3F9C]  }
0x30: {  	s3 =	sld [smem:$0x3F9F]  }
0x31: {  	[smem:$0x3FA8] =	sst s10  }
0x32: {  	s10 =	sld [smem:$0x3FA6];
	_ =	sdelay $0x3  }
0x33: {  	p0 =	seq.s32 s10, $0x1;
	s10 =	sld [smem:$0x3FA8];
	_ =	sdelay $0x3  }
0x34: {  	[smem:$0x3FA8] =	sst s10  }
0x35: {  	s10 =	sld [smem:$0x3FA7];
	_ =	sdelay $0x3  }
0x36: {  	p1 =	seq.s32 s10, $0x1;
	s10 =	sld [smem:$0x3FA8];
	_ =	sdelay $0x3  }
0x37: {  	[smem:$0x3FA8] =	sst s10  }
0x38: {  	s10 =	sld [smem:$0x3FA9]  }
0x39: {  	_ = 	snop;
	(pc) =	sbr.ind lr, $3  }
0x3a: {  	_ = 	snop  }
0x3b: {  	_ = 	snop  }
0x3c: {  	p2 =	seq.s32 s10, $0x1;
	s10 =	sld [smem:$0x3FA8]  }
0x3d: {  	_ =	shalt  }
0x3e: {  	_ =	shalt  }
0x3f: {  	_ =	shalt  }
0x40: {  	_ =	shalt  }
0x41: {  	_ =	shalt  }
0x42: {  	_ =	shalt  }
0x43: {  	_ =	shalt  }
0x44: {  	_ =	shalt  }
0x45: {  	_ =	shalt  }
0x46: {  	_ =	shalt  }
0x47: {  	_ =	shalt  }
0x48: {  	_ =	shalt  }
0x49: {  	_ =	shalt  }
0x4a: {  	_ =	shalt  }
0x4b: {  	_ =	shalt  }
0x4c: {  	_ =	shalt  }
0x4d: {  	_ =	shalt  }
0x4e: {  	_ =	shalt  }
0x4f: {  	_ =	shalt  }
0x50: {  	_ =	shalt  }
0x51: {  	_ =	shalt  }
0x52: {  	_ =	shalt  }
0x53: {  	_ =	shalt  }
0x54: {  	_ =	shalt  }
0x55: {  	_ =	shalt  }
0x56: {  	_ =	shalt  }
0x57: {  	_ =	shalt  }
0x58: {  	_ =	shalt  }
0x59: {  	_ =	shalt  }
0x5a: {  	_ =	shalt  }
0x5b: {  	_ =	shalt  }
0x5c: {  	_ =	shalt  }
0x5d: {  	_ =	shalt  }
0x5e: {  	_ =	shalt  }
0x5f: {  	_ =	shalt  }
0x60: {  	_ =	shalt  }
0x61: {  	_ =	shalt  }
0x62: {  	_ =	shalt  }
0x63: {  	_ =	shalt  }
0x64: {  	_ =	shalt  }
0x65: {  	_ =	shalt  }
0x66: {  	_ =	shalt  }
0x67: {  	_ =	shalt  }
0x68: {  	_ =	shalt  }
0x69: {  	_ =	shalt  }
0x6a: {  	_ =	shalt  }
0x6b: {  	_ =	shalt  }
0x6c: {  	_ =	shalt  }
0x6d: {  	_ =	shalt  }
0x6e: {  	_ =	shalt  }
0x6f: {  	_ =	shalt  }
0x70: {  	_ =	shalt  }
0x71: {  	_ =	shalt  }
0x72: {  	_ =	shalt  }
0x73: {  	_ =	shalt  }
0x74: {  	_ =	shalt  }
0x75: {  	_ =	shalt  }
0x76: {  	_ =	shalt  }
0x77: {  	_ =	shalt  }
0x78: {  	_ =	shalt  }
0x79: {  	_ =	shalt  }
0x7a: {  	_ =	shalt  }
0x7b: {  	_ =	shalt  }
0x7c: {  	_ =	shalt  }
0x7d: {  	_ =	shalt  }
0x7e: {  	_ =	shalt  }
0x7f: {  	_ =	shalt  }
0x80: {  	_ =	shalt  }
0x81: {  	_ =	shalt  }
0x82: {  	_ =	shalt  }
0x83: {  	_ =	shalt  }
0x84: {  	_ =	shalt  }
0x85: {  	_ =	shalt  }
0x86: {  	_ =	shalt  }
0x87: {  	_ =	shalt  }
.Lfunc_end0:
.L_simem_size_0:
called_computation_lowered:
.L_overlay_start_0:
0x88: {  	s2 =	sld [smem:$0x3FD9]  }
0x89: {  	s3 =	sld [smem:$0x3FFE];
	_ =	sdelay $0x1  }
0x8a: {  	s1 =	srdreg.scid  }
0x8b: {  	s0 =	sand.u32 $0x1, s1  }
0x8c: {  	s17 =	sshll.u32 s0, $0xA;
	s2 =	sadd.s32 s3, s2  }
0x8d: {  	s2 =	sadd.s32 s2, s17  }
0x8e: {  	[smem:$0x3FB4] =	sst s2  }
0x8f: {  	_ = 	snop  }
0x90: {  	s2 =	sld [smem:$0x3FC8]  }
0x91: {  	s18 =	sld [smem:$0x3FD0];
	(tm) =	ssettm $0x1  }
0x92: {  	s4 =	sld [smem:$0x3FFB];
	_ =	sdelay $0x3  }
0x93: {  	_ =	strace s4  }
0x94: {  	s4 =	sld [smem:$0x3FFC];
	_ =	sdelay $0x3  }
0x95: {  	_ =	strace s4  }
0x96: {  	s4 =	sld [smem:$0x3FFD];
	_ =	sdelay $0x3  }
0x97: {  	_ =	strace s4  }
0x98: {  	_ =	strace $0x8FFFFFFF  }
0x99: {  	s19 =	sld [smem:$0x3FDB];
	_ =	sdelay $0x1  }
0x9a: {  	s5 =	simm.s32 $_scs_section_size  }
0x9b: {  	s6 =	simm.s32 $_size__tile_overlayer_lowered;
	s7 =	simm.s32 $_tile_overlayer_lowered  }
0x9c: {  	s22 =	simm.s32 $0x1BFF;
	s21 =	sshll.u32 s7, $0x1;
	s4 =	sadd.s32 s5, s19  }
0x9d: {  	s8 =	simm.s32 $0x0;
	s20 =	sshll.u32 s6, $0x1;
	s6 =	sadd.s32 s21, s4  }
0x9e: {  	[timem:s8], [sflag:s22] =	dma.local [hbm:s6], s20  }
0x9f: {  	_ =	swait.ge [sflag:s22], s20  }
0xa0: {  	s5 =	ssub.s32 $0x0, s20;
	[sflag:s22] =	ssyncset.done $0x0  }
0xa1: {  	[sflag:s22] =	ssyncadd.s32 s5;
	_ =	sdelay $0x1  }
0xa2: {  	s23 =	simm.s32 $0x1B8B  }
0xa3: {  	_ =	swait.ge [sflag:s23], $0x1  }
0xa4: {  	[sflag:s23] =	ssyncset.done $0x0  }
0xa5: {  	s25 =	simm.s32 $0x1B8E;
	s24 =	sld [smem:$0x3FFE];
	[sflag:s23] =	ssyncadd.s32 $0xFFFFFFFF  }
0xa6: {  	s26 =	simm.s32 $execute0_lowered;
	[smem:$0x3FD2] =	sst s25  }
0xa7: {  	s6 =	sshll.u32 s26, $0x1;
	_ =	strace $0x80000046;
	[dreg:$0x1] =	wrdreg $0xFFFFFFFF  }
0xa8: {  	s28 =	simm.s32 $_size_execute0_lowered;
	s4 =	sadd.s32 s4, s6;
	[dreg:$0x0] =	wrdreg $0x0  }
0xa9: {  	s6 =	sshll.u32 s28, $0x1;
	[dreg:$0x2] =	wrdreg s4  }
0xaa: {  	[dreg:$0x3] =	wrdreg s6  }
0xab: {  	[dreg:$0x4] =	wrdreg $0xC0  }
0xac: {  	_ =	task [dreg:s8], $0x5FFFF  }
0xad: {  	[dreg:$0x1] =	wrdreg $0xFFFFFFFF  }
0xae: {  	[dreg:$0x0] =	wrdreg $0x60  }
0xaf: {  	[dreg:$0x2] =	wrdreg s18  }
0xb0: {  	[dreg:$0x3] =	wrdreg s2  }
0xb1: {  	[dreg:$0x4] =	wrdreg s24  }
0xb2: {  	[dreg:$0x5] =	wrdreg $0x9  }
0xb3: {  	_ =	task.clear_ibuf [dreg:s8], $0x6FFFF;
	_ =	strace $0x90000046  }
0xb4: {  	s29 =	simm.s32 $0x9;
	_ =	strace $0x80000048  }
0xb5: {  	_ =	swait.ge [sflag:s29], $0x1  }
0xb6: {  	[sflag:s29] =	ssyncadd.s32 $0xFFFFFFFF  }
0xb7: {  	_ =	strace $0x90000048  }
0xb8: {  	_ =	sfence  }
0xb9: {  	s30 =	sld [smem:$0x0];
	_ =	sdelay $0x2  }
0xba: {  	s31 =	sshll.u32 s1, $0xD;
	s1 =	sshrl.u32 s1, $0x2  }
0xbb: {  	s3 =	sand.u32 $0x4000, s31;
	s1 =	sadd.s32 s1, s30  }
0xbc: {  	s0 =	sor.u32 s3, s0;
	s1 =	sshll.u32 s1, $0x11  }
0xbd: {  	s0 =	sor.u32 s1, s0  }
0xbe: {  	s0 =	sadd.s32 $0x8F2B, s0  }
0xbf: {  	[sflag:s0] =	ssyncadd.remote.s32 $0x1  }
0xc0: {  	_ =	sfence.sel $0xFFFF  }
0xc1: {  	[dreg:$0x0] =	wrdreg $0xFFFFFFFF;
	(pc) =	sbr.abs _section_cstart, $3  }
0xc2: {  	[dreg:$0x1] =	wrdreg $0xFFFFFFFF  }
0xc3: {  	_ =	task.clear_ibuf [dreg:s8], $0x2FFFF;
	_ =	strace $0x9FFFFFFF  }
0xc4: {  	(tm) =	ssettm $0x7FFFFFFF  }
0xc5: {  	_ =	shalt  }
tec
execute0_lowered:
.L_overlay_start_1:
0x0: {  	(tag) =	ssettag $0x1  }
0x1: {  	s4 =	rddreg [dreg:$0x0]  }
0x2: {  	s2 =	rddreg [dreg:$0x1]  }
0x3: {  	s5 =	rddreg [dreg:$0x2]  }
0x4: {  	s0 =	rddreg [dreg:$0x3]  }
0x5: {  	s6 =	srdreg.scid;
	s1 =	stileid.u32;
	s3 =	simm.s32 $0x0  }
0x6: {  	s10 =	simm.s32 $0x80;
	s11 =	simm.s32 $0x5400;
	s12 =	simm.s32 $0x100  }
0x7: {  	s13 =	simm.s32 $0x8800;
	s14 =	simm.s32 $0x180;
	s15 =	simm.s32 $0xBC00  }
0x8: {  	s16 =	simm.s32 $0x1;
	s17 =	simm.s32 $0x2;
	s18 =	simm.s32 $0x3  }
0x9: {  	s19 =	simm.s32 $0x4;
	s20 =	simm.s32 $0xF000;
	s21 =	simm.s32 $0x0  }
0xa: {  	s6 =	sand.u32 $0x1, s6;
	s7 =	sshll.u32 s1, $0x1;
	[smem:$0x7FF] =	sst s3  }
.Ltmp0:
0xb: {  	s7 =	sor.u32 s6, s7;
	s6 =	ssub.s32 $0x2, s6;
	(pc) =	sbr.rel .LBB2_1-.Ltmp0, $4  }
0xc: {  	_ =	strace $0x80000047;
	s8 =	sshll.u32 s7, $0x9;
	s9 =	sshrl.u32 s6, $0x1  }
0xd: {  	s7 =	sshll.u32 s7, $0xA;
	s5 =	sadd.s32 s8, s5;
	s6 =	ssub.s32 s6, s9  }
0xe: {  	s4 =	sadd.s32 s4, s7;
	s7 =	simm.s32 $0x5;
	s8 =	simm.s32 $0x64  }
0xf: {  	s9 =	simm.s32 $0x2000;
	s5 =	sadd.s32 $0x2A00, s5;
	s6 =	smax.u32 s6, $0x1  }
.LBB2_12:
0x10: {  	s21 =	sadd.s32 $0x1, s21  }
0x11: {  	p0 =	sne.s32 s21, s6  }
.Ltmp1:
0x12: {  	_ = 	snop;
	(pc) =	sbr.rel @!p0 .LBB2_13-.Ltmp1, $4  }
0x13: {  	[hbm4b:s5+s3] =	stream.linear.scatter [tilespmem:s20], [sflag:$0x5], $0x1000, $0x38;
	[tilespmem:$0x10000] =	vst v63  }
0x14: {  	_ =	swait.ge [sflag:s7], $0x1000  }
0x15: {  	[sflag:s7] =	ssyncset.done $0x0  }
0x16: {  	[sflag:s7] =	ssyncadd.s32 $0xFFFFF000  }
.LBB2_1:
0x17: {  	[tilespmem:s3], [sflag:$0x5] =	stream.linear.gather [hbm4b:s4+s3], $0x2000, $0x38;
	[tilespmem:$0x10000] =	vst v63  }
0x18: {  	_ =	swait.ge [sflag:s7], $0x2000  }
0x19: {  	[sflag:s7] =	ssyncset.done $0x0  }
0x1a: {  	[sflag:s7] =	ssyncadd.s32 $0xFFFFE000  }
0x1b: {  	[tilespmem:s9], [sflag:$0x1] =	stream.indirect.gather [hbm4b:s2+s8], $0x80, s3, s8, $0xb8;
	[tilespmem:$0x10000] =	vst v63  }
0x1c: {  	_ = 	snop  }
0x1d: {  	[tilespmem:s11], [sflag:$0x2] =	stream.indirect.gather [hbm4b:s2+s8], $0x80, s10, s8, $0xb8;
	[tilespmem:$0x10000] =	vst v63  }
0x1e: {  	_ = 	snop  }
0x1f: {  	[tilespmem:s13], [sflag:$0x3] =	stream.indirect.gather [hbm4b:s2+s8], $0x80, s12, s8, $0xb8;
	[tilespmem:$0x10000] =	vst v63  }
0x20: {  	s22 =	simm.s32 $0x0  }
0x21: {  	[tilespmem:s15], [sflag:$0x4] =	stream.indirect.gather [hbm4b:s2+s8], $0x80, s14, s8, $0xb8;
	[tilespmem:$0x10000] =	vst v63  }
.LBB2_2:
0x22: {  	_ =	swait.ge [sflag:s16], $0x3200  }
0x23: {  	[sflag:s16] =	ssyncset.done $0x0  }
0x24: {  	[sflag:s16] =	ssyncadd.s32 $0xFFFFCE00  }
0x25: {  	v10 =	vld [tilespmem:$0x2000]  }
0x26: {  	v11 =	vld [tilespmem:$0x2010]  }
0x27: {  	v19 =	vld [tilespmem:$0x2020]  }
0x28: {  	v20 =	vld [tilespmem:$0x2030]  }
0x29: {  	v23 =	vld [tilespmem:$0x2040]  }
0x2a: {  	v4 =	vld [tilespmem:$0x2050]  }
0x2b: {  	v3 =	vld [tilespmem:$0x2060]  }
0x2c: {  	s24 =	simm.s32 $0x2100;
	v2 =	vld [tilespmem:$0x2070]  }
0x2d: {  	v21 =	vld [tilespmem:s24+$0x80]  }
0x2e: {  	v22 =	vld [tilespmem:s24+$0x90]  }
0x2f: {  	v5 =	vld [tilespmem:s24+$0xA0]  }
0x30: {  	v6 =	vld [tilespmem:s24+$0xB0]  }
0x31: {  	v7 =	vld [tilespmem:s24+$0xC0]  }
0x32: {  	v1 =	vld [tilespmem:s24+$0xD0]  }
0x33: {  	v0 =	vld [tilespmem:s24+$0xE0]  }
0x34: {  	v16 =	vld [tilespmem:s24+$0x0]  }
0x35: {  	v24 =	vld [tilespmem:s24+$0x10]  }
0x36: {  	v13 =	vld [tilespmem:s24+$0x20]  }
0x37: {  	v14 =	vld [tilespmem:s24+$0x30]  }
0x38: {  	v12 =	vld [tilespmem:s24+$0x40]  }
0x39: {  	v9 =	vld [tilespmem:s24+$0x50]  }
0x3a: {  	v8 =	vld [tilespmem:s24+$0x60]  }
0x3b: {  	v17 =	vld [tilespmem:s24+$0xFFFFFF80]  }
0x3c: {  	v18 =	vld [tilespmem:s24+$0xFFFFFF90]  }
0x3d: {  	v25 =	vld [tilespmem:s24+$0xFFFFFFA0]  }
0x3e: {  	v26 =	vld [tilespmem:s24+$0xFFFFFFB0]  }
0x3f: {  	v27 =	vld [tilespmem:s24+$0xFFFFFFC0]  }
0x40: {  	v15 =	vld [tilespmem:s24+$0xFFFFFFD0]  }
0x41: {  	v10 =	vmax.f32 v10, v17;
	v11 =	vmax.f32 v11, v18;
	v18 =	vld [tilespmem:s24+$0xFFFFFFE0]  }
0x42: {  	v17 =	vld [tilespmem:s24+$0xFFFFFFF0];
	v10 =	vmax.f32 v10, v16;
	v24 =	vmax.f32 v11, v24  }
0x43: {  	v16 =	vld [tilespmem:s24+$0x70];
	v11 =	vmax.f32 v10, v21;
	v10 =	vmax.f32 v24, v22  }
0x44: {  	s23 =	simm.s32 $0x1;
	v22 =	vmax.f32 v19, v25;
	v21 =	vmax.f32 v20, v26;
	v20 =	vmax.f32 v23, v27;
	v19 =	vld [tilespmem:s24+$0xF0];
	s24 =	simm.s32 $0x2280  }
.LBB2_3:
0x45: {  	v23 =	vld [tilespmem:s24+$0x80];
	v13 =	vmax.f32 v22, v13;
	v14 =	vmax.f32 v21, v14;
	v12 =	vmax.f32 v20, v12  }
0x46: {  	v20 =	vld [tilespmem:s24+$0x90];
	v21 =	vmax.f32 v13, v5;
	v24 =	vmax.f32 v14, v6;
	v25 =	vmax.f32 v12, v7  }
0x47: {  	v4 =	vmax.f32 v4, v15;
	v3 =	vmax.f32 v3, v18;
	v5 =	vld [tilespmem:s24+$0xA0];
	v2 =	vmax.f32 v2, v17  }
0x48: {  	v4 =	vmax.f32 v4, v9;
	v3 =	vmax.f32 v3, v8;
	v6 =	vld [tilespmem:s24+$0xB0];
	v2 =	vmax.f32 v2, v16  }
0x49: {  	v4 =	vmax.f32 v4, v1;
	v3 =	vmax.f32 v3, v0;
	v7 =	vld [tilespmem:s24+$0xC0];
	v2 =	vmax.f32 v2, v19  }
0x4a: {  	v1 =	vld [tilespmem:s24+$0xD0]  }
0x4b: {  	v0 =	vld [tilespmem:s24+$0xE0]  }
0x4c: {  	v16 =	vld [tilespmem:s24+$0x0]  }
0x4d: {  	v19 =	vld [tilespmem:s24+$0x10]  }
0x4e: {  	v13 =	vld [tilespmem:s24+$0x20]  }
0x4f: {  	v14 =	vld [tilespmem:s24+$0x30]  }
0x50: {  	v12 =	vld [tilespmem:s24+$0x40]  }
0x51: {  	v9 =	vld [tilespmem:s24+$0x50]  }
0x52: {  	v8 =	vld [tilespmem:s24+$0x60]  }
0x53: {  	v17 =	vld [tilespmem:s24+$0xFFFFFF80]  }
0x54: {  	v18 =	vld [tilespmem:s24+$0xFFFFFF90]  }
0x55: {  	v22 =	vld [tilespmem:s24+$0xFFFFFFA0]  }
0x56: {  	s23 =	sadd.s32 $0x3, s23;
	v26 =	vld [tilespmem:s24+$0xFFFFFFB0]  }
0x57: {  	p0 =	slt.u32 s23, $0x61;
	v27 =	vld [tilespmem:s24+$0xFFFFFFC0]  }
.Ltmp2:
0x58: {  	v15 =	vld [tilespmem:s24+$0xFFFFFFD0];
	(pc) =	sbr.rel @p0 .LBB2_3-.Ltmp2, $4  }
0x59: {  	v11 =	vmax.f32 v11, v17;
	v10 =	vmax.f32 v10, v18;
	v18 =	vld [tilespmem:s24+$0xFFFFFFE0]  }
0x5a: {  	v11 =	vmax.f32 v11, v16;
	v17 =	vld [tilespmem:s24+$0xFFFFFFF0];
	v10 =	vmax.f32 v10, v19  }
0x5b: {  	v11 =	vmax.f32 v11, v23;
	v16 =	vld [tilespmem:s24+$0x70];
	v10 =	vmax.f32 v10, v20  }
0x5c: {  	v22 =	vmax.f32 v21, v22;
	v21 =	vmax.f32 v24, v26;
	v20 =	vmax.f32 v25, v27;
	v19 =	vld [tilespmem:s24+$0xF0];
	s24 =	sadd.s32 $0x180, s24  }
0x5d: {  	s23 =	sshll.u32 s22, $0xA  }
0x5e: {  	s23 =	sshra.s32 s23, $0x2  }
0x5f: {  	v13 =	vmax.f32 v22, v13;
	v4 =	vmax.f32 v4, v15;
	[tilespmem:s23+$0xF000] =	vst v11  }
0x60: {  	v5 =	vmax.f32 v13, v5;
	v4 =	vmax.f32 v4, v9;
	[tilespmem:s23+$0xF010] =	vst v10  }
0x61: {  	v11 =	vmax.f32 v21, v14;
	[tilespmem:s23+$0xF020] =	vst v5;
	v1 =	vmax.f32 v4, v1  }
0x62: {  	v3 =	vmax.f32 v3, v18;
	v10 =	vmax.f32 v20, v12;
	v6 =	vmax.f32 v11, v6;
	[tilespmem:s23+$0xF050] =	vst v1  }
0x63: {  	v2 =	vmax.f32 v2, v17;
	v3 =	vmax.f32 v3, v8;
	v5 =	vmax.f32 v10, v7;
	[tilespmem:s23+$0xF030] =	vst v6  }
0x64: {  	s24 =	sshll.u32 s22, $0xB;
	p0 =	seq.s32 s22, $0xF;
	v2 =	vmax.f32 v2, v16;
	v0 =	vmax.f32 v3, v0;
	[tilespmem:s23+$0xF040] =	vst v5  }
0x65: {  	s25 =	sshrl.u32 @!p0 s24, $0x2;
	v1 =	vmax.f32 v2, v19;
	[tilespmem:s23+$0xF060] =	vst v0  }
0x66: {  	s28 =	simm.s32 @!p0 $0x64;
	s29 =	simm.s32 @!p0 $0x2000;
	s26 =	sadd.s32 @!p0 $0x200, s25;
	[tilespmem:s23+$0xF070] =	vst v1  }
0x67: {  	[tilespmem:s29], [sflag:$0x1] =	stream.indirect.gather @!p0 [hbm4b:s2+s28], $0x80, s26, s28, $0xb8;
	[tilespmem:$0x10000] =	vst v63  }
0x68: {  	_ =	swait.ge [sflag:s17], $0x3200  }
0x69: {  	[sflag:s17] =	ssyncset.done $0x0  }
0x6a: {  	[sflag:s17] =	ssyncadd.s32 $0xFFFFCE00  }
0x6b: {  	v10 =	vld [tilespmem:$0x5400]  }
0x6c: {  	v11 =	vld [tilespmem:$0x5410]  }
0x6d: {  	v18 =	vld [tilespmem:$0x5420]  }
0x6e: {  	v20 =	vld [tilespmem:$0x5430]  }
0x6f: {  	v23 =	vld [tilespmem:$0x5440]  }
0x70: {  	v3 =	vld [tilespmem:$0x5450]  }
0x71: {  	v4 =	vld [tilespmem:$0x5460]  }
0x72: {  	s28 =	simm.s32 $0x5500;
	v2 =	vld [tilespmem:$0x5470]  }
0x73: {  	v21 =	vld [tilespmem:s28+$0x80]  }
0x74: {  	v22 =	vld [tilespmem:s28+$0x90]  }
0x75: {  	v5 =	vld [tilespmem:s28+$0xA0]  }
0x76: {  	v6 =	vld [tilespmem:s28+$0xB0]  }
0x77: {  	v7 =	vld [tilespmem:s28+$0xC0]  }
0x78: {  	v1 =	vld [tilespmem:s28+$0xD0]  }
0x79: {  	v0 =	vld [tilespmem:s28+$0xE0]  }
0x7a: {  	v15 =	vld [tilespmem:s28+$0x0]  }
0x7b: {  	v24 =	vld [tilespmem:s28+$0x10]  }
0x7c: {  	v12 =	vld [tilespmem:s28+$0x20]  }
0x7d: {  	v13 =	vld [tilespmem:s28+$0x30]  }
0x7e: {  	v14 =	vld [tilespmem:s28+$0x40]  }
0x7f: {  	v9 =	vld [tilespmem:s28+$0x50]  }
0x80: {  	v8 =	vld [tilespmem:s28+$0x60]  }
0x81: {  	v17 =	vld [tilespmem:s28+$0xFFFFFF80]  }
0x82: {  	v19 =	vld [tilespmem:s28+$0xFFFFFF90]  }
0x83: {  	v25 =	vld [tilespmem:s28+$0xFFFFFFA0]  }
0x84: {  	v26 =	vld [tilespmem:s28+$0xFFFFFFB0]  }
0x85: {  	v27 =	vld [tilespmem:s28+$0xFFFFFFC0]  }
0x86: {  	v16 =	vld [tilespmem:s28+$0xFFFFFFD0]  }
0x87: {  	v10 =	vmax.f32 v10, v17;
	v11 =	vmax.f32 v11, v19;
	v19 =	vld [tilespmem:s28+$0xFFFFFFE0]  }
0x88: {  	v17 =	vld [tilespmem:s28+$0xFFFFFFF0];
	v10 =	vmax.f32 v10, v15;
	v24 =	vmax.f32 v11, v24  }
0x89: {  	v15 =	vld [tilespmem:s28+$0x70];
	v11 =	vmax.f32 v10, v21;
	v10 =	vmax.f32 v24, v22  }
0x8a: {  	s26 =	simm.s32 $0x1;
	v21 =	vmax.f32 v18, v25;
	v22 =	vmax.f32 v20, v26;
	v20 =	vmax.f32 v23, v27;
	v18 =	vld [tilespmem:s28+$0xF0];
	s28 =	simm.s32 $0x5680  }
.LBB2_5:
0x8b: {  	v23 =	vld [tilespmem:s28+$0x80];
	v12 =	vmax.f32 v21, v12;
	v13 =	vmax.f32 v22, v13;
	v14 =	vmax.f32 v20, v14  }
0x8c: {  	v20 =	vld [tilespmem:s28+$0x90];
	v21 =	vmax.f32 v12, v5;
	v22 =	vmax.f32 v13, v6;
	v24 =	vmax.f32 v14, v7  }
0x8d: {  	v3 =	vmax.f32 v3, v16;
	v4 =	vmax.f32 v4, v19;
	v5 =	vld [tilespmem:s28+$0xA0];
	v2 =	vmax.f32 v2, v17  }
0x8e: {  	v3 =	vmax.f32 v3, v9;
	v4 =	vmax.f32 v4, v8;
	v6 =	vld [tilespmem:s28+$0xB0];
	v2 =	vmax.f32 v2, v15  }
0x8f: {  	v3 =	vmax.f32 v3, v1;
	v4 =	vmax.f32 v4, v0;
	v7 =	vld [tilespmem:s28+$0xC0];
	v2 =	vmax.f32 v2, v18  }
0x90: {  	v1 =	vld [tilespmem:s28+$0xD0]  }
0x91: {  	v0 =	vld [tilespmem:s28+$0xE0]  }
0x92: {  	v15 =	vld [tilespmem:s28+$0x0]  }
0x93: {  	v18 =	vld [tilespmem:s28+$0x10]  }
0x94: {  	v12 =	vld [tilespmem:s28+$0x20]  }
0x95: {  	v13 =	vld [tilespmem:s28+$0x30]  }
0x96: {  	v14 =	vld [tilespmem:s28+$0x40]  }
0x97: {  	v9 =	vld [tilespmem:s28+$0x50]  }
0x98: {  	v8 =	vld [tilespmem:s28+$0x60]  }
0x99: {  	v17 =	vld [tilespmem:s28+$0xFFFFFF80]  }
0x9a: {  	v19 =	vld [tilespmem:s28+$0xFFFFFF90]  }
0x9b: {  	v25 =	vld [tilespmem:s28+$0xFFFFFFA0]  }
0x9c: {  	s26 =	sadd.s32 $0x3, s26;
	v26 =	vld [tilespmem:s28+$0xFFFFFFB0]  }
0x9d: {  	p1 =	slt.u32 s26, $0x61;
	v27 =	vld [tilespmem:s28+$0xFFFFFFC0]  }
.Ltmp3:
0x9e: {  	v16 =	vld [tilespmem:s28+$0xFFFFFFD0];
	(pc) =	sbr.rel @p1 .LBB2_5-.Ltmp3, $4  }
0x9f: {  	v11 =	vmax.f32 v11, v17;
	v10 =	vmax.f32 v10, v19;
	v19 =	vld [tilespmem:s28+$0xFFFFFFE0]  }
0xa0: {  	v11 =	vmax.f32 v11, v15;
	v17 =	vld [tilespmem:s28+$0xFFFFFFF0];
	v10 =	vmax.f32 v10, v18  }
0xa1: {  	v11 =	vmax.f32 v11, v23;
	v15 =	vld [tilespmem:s28+$0x70];
	v10 =	vmax.f32 v10, v20  }
0xa2: {  	v21 =	vmax.f32 v21, v25;
	v22 =	vmax.f32 v22, v26;
	v20 =	vmax.f32 v24, v27;
	v18 =	vld [tilespmem:s28+$0xF0];
	s28 =	sadd.s32 $0x180, s28  }
0xa3: {  	v23 =	vld [tilespmem:s23+$0xF000]  }
0xa4: {  	v24 =	vld [tilespmem:s23+$0xF010]  }
0xa5: {  	v25 =	vld [tilespmem:s23+$0xF020]  }
0xa6: {  	v12 =	vmax.f32 v21, v12;
	v21 =	vld [tilespmem:s23+$0xF040]  }
0xa7: {  	v26 =	vld [tilespmem:s23+$0xF030];
	v13 =	vmax.f32 v22, v13  }
0xa8: {  	v14 =	vmax.f32 v20, v14;
	v5 =	vmax.f32 v12, v5;
	v12 =	vld [tilespmem:s23+$0xF050];
	v11 =	vmax.f32 v23, v11  }
0xa9: {  	v3 =	vmax.f32 v3, v16;
	v6 =	vmax.f32 v13, v6;
	v10 =	vmax.f32 v24, v10;
	[tilespmem:s23+$0xF000] =	vst v11;
	v11 =	vld [tilespmem:s23+$0xF060]  }
0xaa: {  	v7 =	vmax.f32 v14, v7;
	v3 =	vmax.f32 v3, v9;
	v5 =	vmax.f32 v25, v5;
	[tilespmem:s23+$0xF010] =	vst v10;
	v10 =	vld [tilespmem:s23+$0xF070]  }
0xab: {  	v4 =	vmax.f32 v4, v19;
	v1 =	vmax.f32 v3, v1;
	v3 =	vmax.f32 v21, v7;
	[tilespmem:s23+$0xF020] =	vst v5  }
0xac: {  	v2 =	vmax.f32 v2, v17;
	v4 =	vmax.f32 v4, v8;
	v5 =	vmax.f32 v26, v6;
	[tilespmem:s23+$0xF040] =	vst v3  }
0xad: {  	v2 =	vmax.f32 v2, v15;
	v0 =	vmax.f32 v4, v0;
	v1 =	vmax.f32 v12, v1;
	[tilespmem:s23+$0xF030] =	vst v5  }
0xae: {  	v2 =	vmax.f32 v2, v18;
	[tilespmem:s23+$0xF050] =	vst v1;
	v0 =	vmax.f32 v11, v0  }
0xaf: {  	[tilespmem:s23+$0xF060] =	vst v0;
	v0 =	vmax.f32 v10, v2  }
0xb0: {  	s26 =	sadd.s32 @!p0 $0x280, s25;
	s28 =	simm.s32 @!p0 $0x64;
	s29 =	simm.s32 @!p0 $0x5400;
	[tilespmem:s23+$0xF070] =	vst v0  }
0xb1: {  	[tilespmem:s29], [sflag:$0x2] =	stream.indirect.gather @!p0 [hbm4b:s2+s28], $0x80, s26, s28, $0xb8;
	[tilespmem:$0x10000] =	vst v63  }
0xb2: {  	_ =	swait.ge [sflag:s18], $0x3200  }
0xb3: {  	[sflag:s18] =	ssyncset.done $0x0  }
0xb4: {  	[sflag:s18] =	ssyncadd.s32 $0xFFFFCE00  }
0xb5: {  	v10 =	vld [tilespmem:$0x8800]  }
0xb6: {  	v11 =	vld [tilespmem:$0x8810]  }
0xb7: {  	v19 =	vld [tilespmem:$0x8820]  }
0xb8: {  	v20 =	vld [tilespmem:$0x8830]  }
0xb9: {  	v23 =	vld [tilespmem:$0x8840]  }
0xba: {  	v4 =	vld [tilespmem:$0x8850]  }
0xbb: {  	v3 =	vld [tilespmem:$0x8860]  }
0xbc: {  	s28 =	simm.s32 $0x8900;
	v2 =	vld [tilespmem:$0x8870]  }
0xbd: {  	v21 =	vld [tilespmem:s28+$0x80]  }
0xbe: {  	v22 =	vld [tilespmem:s28+$0x90]  }
0xbf: {  	v5 =	vld [tilespmem:s28+$0xA0]  }
0xc0: {  	v6 =	vld [tilespmem:s28+$0xB0]  }
0xc1: {  	v7 =	vld [tilespmem:s28+$0xC0]  }
0xc2: {  	v1 =	vld [tilespmem:s28+$0xD0]  }
0xc3: {  	v0 =	vld [tilespmem:s28+$0xE0]  }
0xc4: {  	v16 =	vld [tilespmem:s28+$0x0]  }
0xc5: {  	v61 =	vld [tilespmem:s28+$0x10]  }
0xc6: {  	v13 =	vld [tilespmem:s28+$0x20]  }
0xc7: {  	v14 =	vld [tilespmem:s28+$0x30]  }
0xc8: {  	v12 =	vld [tilespmem:s28+$0x40]  }
0xc9: {  	v9 =	vld [tilespmem:s28+$0x50]  }
0xca: {  	v8 =	vld [tilespmem:s28+$0x60]  }
0xcb: {  	v17 =	vld [tilespmem:s28+$0xFFFFFF80]  }
0xcc: {  	v18 =	vld [tilespmem:s28+$0xFFFFFF90]  }
0xcd: {  	v62 =	vld [tilespmem:s28+$0xFFFFFFA0]  }
0xce: {  	v63 =	vld [tilespmem:s28+$0xFFFFFFB0]  }
0xcf: {  	v27 =	vld [tilespmem:s28+$0xFFFFFFC0]  }
0xd0: {  	v15 =	vld [tilespmem:s28+$0xFFFFFFD0]  }
0xd1: {  	v10 =	vmax.f32 v10, v17;
	v11 =	vmax.f32 v11, v18;
	v18 =	vld [tilespmem:s28+$0xFFFFFFE0]  }
0xd2: {  	v17 =	vld [tilespmem:s28+$0xFFFFFFF0];
	v10 =	vmax.f32 v10, v16;
	v24 =	vmax.f32 v11, v61  }
0xd3: {  	v16 =	vld [tilespmem:s28+$0x70];
	v11 =	vmax.f32 v10, v21;
	v10 =	vmax.f32 v24, v22  }
0xd4: {  	s26 =	simm.s32 $0x1;
	v22 =	vmax.f32 v19, v62;
	v21 =	vmax.f32 v20, v63;
	v20 =	vmax.f32 v23, v27;
	v19 =	vld [tilespmem:s28+$0xF0];
	s28 =	simm.s32 $0x8A80  }
.LBB2_7:
0xd5: {  	v23 =	vld [tilespmem:s28+$0x80];
	v13 =	vmax.f32 v22, v13;
	v14 =	vmax.f32 v21, v14;
	v12 =	vmax.f32 v20, v12  }
0xd6: {  	v20 =	vld [tilespmem:s28+$0x90];
	v21 =	vmax.f32 v13, v5;
	v24 =	vmax.f32 v14, v6;
	v25 =	vmax.f32 v12, v7  }
0xd7: {  	v4 =	vmax.f32 v4, v15;
	v3 =	vmax.f32 v3, v18;
	v5 =	vld [tilespmem:s28+$0xA0];
	v2 =	vmax.f32 v2, v17  }
0xd8: {  	v4 =	vmax.f32 v4, v9;
	v3 =	vmax.f32 v3, v8;
	v6 =	vld [tilespmem:s28+$0xB0];
	v2 =	vmax.f32 v2, v16  }
0xd9: {  	v4 =	vmax.f32 v4, v1;
	v3 =	vmax.f32 v3, v0;
	v7 =	vld [tilespmem:s28+$0xC0];
	v2 =	vmax.f32 v2, v19  }
0xda: {  	v1 =	vld [tilespmem:s28+$0xD0]  }
0xdb: {  	v0 =	vld [tilespmem:s28+$0xE0]  }
0xdc: {  	v16 =	vld [tilespmem:s28+$0x0]  }
0xdd: {  	v19 =	vld [tilespmem:s28+$0x10]  }
0xde: {  	v13 =	vld [tilespmem:s28+$0x20]  }
0xdf: {  	v14 =	vld [tilespmem:s28+$0x30]  }
0xe0: {  	v12 =	vld [tilespmem:s28+$0x40]  }
0xe1: {  	v9 =	vld [tilespmem:s28+$0x50]  }
0xe2: {  	v8 =	vld [tilespmem:s28+$0x60]  }
0xe3: {  	v17 =	vld [tilespmem:s28+$0xFFFFFF80]  }
0xe4: {  	v18 =	vld [tilespmem:s28+$0xFFFFFF90]  }
0xe5: {  	v22 =	vld [tilespmem:s28+$0xFFFFFFA0]  }
0xe6: {  	s26 =	sadd.s32 $0x3, s26;
	v26 =	vld [tilespmem:s28+$0xFFFFFFB0]  }
0xe7: {  	p1 =	slt.u32 s26, $0x61;
	v27 =	vld [tilespmem:s28+$0xFFFFFFC0]  }
.Ltmp4:
0xe8: {  	v15 =	vld [tilespmem:s28+$0xFFFFFFD0];
	(pc) =	sbr.rel @p1 .LBB2_7-.Ltmp4, $4  }
0xe9: {  	v11 =	vmax.f32 v11, v17;
	v10 =	vmax.f32 v10, v18;
	v18 =	vld [tilespmem:s28+$0xFFFFFFE0]  }
0xea: {  	v11 =	vmax.f32 v11, v16;
	v17 =	vld [tilespmem:s28+$0xFFFFFFF0];
	v10 =	vmax.f32 v10, v19  }
0xeb: {  	v11 =	vmax.f32 v11, v23;
	v16 =	vld [tilespmem:s28+$0x70];
	v10 =	vmax.f32 v10, v20  }
0xec: {  	v22 =	vmax.f32 v21, v22;
	v21 =	vmax.f32 v24, v26;
	v20 =	vmax.f32 v25, v27;
	v19 =	vld [tilespmem:s28+$0xF0];
	s28 =	sadd.s32 $0x180, s28  }
0xed: {  	v13 =	vmax.f32 v22, v13;
	[tilespmem:s23+$0xF080] =	vst v11  }
0xee: {  	v11 =	vmax.f32 v21, v14;
	[tilespmem:s23+$0xF090] =	vst v10;
	v5 =	vmax.f32 v13, v5  }
0xef: {  	v10 =	vmax.f32 v20, v12;
	v4 =	vmax.f32 v4, v15;
	v6 =	vmax.f32 v11, v6;
	[tilespmem:s23+$0xF0A0] =	vst v5  }
0xf0: {  	v3 =	vmax.f32 v3, v18;
	v4 =	vmax.f32 v4, v9;
	v5 =	vmax.f32 v10, v7;
	[tilespmem:s23+$0xF0B0] =	vst v6  }
0xf1: {  	v2 =	vmax.f32 v2, v17;
	v3 =	vmax.f32 v3, v8;
	v1 =	vmax.f32 v4, v1;
	[tilespmem:s23+$0xF0C0] =	vst v5  }
0xf2: {  	v2 =	vmax.f32 v2, v16;
	v0 =	vmax.f32 v3, v0;
	[tilespmem:s23+$0xF0D0] =	vst v1  }
0xf3: {  	v1 =	vmax.f32 v2, v19;
	[tilespmem:s23+$0xF0E0] =	vst v0  }
0xf4: {  	s25 =	sadd.s32 @!p0 $0x300, s25;
	s26 =	simm.s32 @!p0 $0x64;
	s28 =	simm.s32 @!p0 $0x8800;
	[tilespmem:s23+$0xF0F0] =	vst v1  }
0xf5: {  	[tilespmem:s28], [sflag:$0x3] =	stream.indirect.gather @!p0 [hbm4b:s2+s26], $0x80, s25, s26, $0xb8;
	[tilespmem:$0x10000] =	vst v63  }
0xf6: {  	_ =	swait.ge [sflag:s19], $0x3200  }
0xf7: {  	[sflag:s19] =	ssyncset.done $0x0  }
0xf8: {  	[sflag:s19] =	ssyncadd.s32 $0xFFFFCE00  }
0xf9: {  	v10 =	vld [tilespmem:$0xBC00]  }
0xfa: {  	v11 =	vld [tilespmem:$0xBC10]  }
0xfb: {  	v18 =	vld [tilespmem:$0xBC20]  }
0xfc: {  	v20 =	vld [tilespmem:$0xBC30]  }
0xfd: {  	v23 =	vld [tilespmem:$0xBC40]  }
0xfe: {  	v3 =	vld [tilespmem:$0xBC50]  }
0xff: {  	v4 =	vld [tilespmem:$0xBC60]  }
0x100: {  	s31 =	simm.s32 $0xBD00;
	v2 =	vld [tilespmem:$0xBC70]  }
0x101: {  	v21 =	vld [tilespmem:s31+$0x80]  }
0x102: {  	v22 =	vld [tilespmem:s31+$0x90]  }
0x103: {  	v5 =	vld [tilespmem:s31+$0xA0]  }
0x104: {  	v6 =	vld [tilespmem:s31+$0xB0]  }
0x105: {  	v7 =	vld [tilespmem:s31+$0xC0]  }
0x106: {  	v1 =	vld [tilespmem:s31+$0xD0]  }
0x107: {  	v0 =	vld [tilespmem:s31+$0xE0]  }
0x108: {  	v15 =	vld [tilespmem:s31+$0x0]  }
0x109: {  	v24 =	vld [tilespmem:s31+$0x10]  }
0x10a: {  	v12 =	vld [tilespmem:s31+$0x20]  }
0x10b: {  	v13 =	vld [tilespmem:s31+$0x30]  }
0x10c: {  	v14 =	vld [tilespmem:s31+$0x40]  }
0x10d: {  	v9 =	vld [tilespmem:s31+$0x50]  }
0x10e: {  	v8 =	vld [tilespmem:s31+$0x60]  }
0x10f: {  	v17 =	vld [tilespmem:s31+$0xFFFFFF80]  }
0x110: {  	v19 =	vld [tilespmem:s31+$0xFFFFFF90]  }
0x111: {  	v25 =	vld [tilespmem:s31+$0xFFFFFFA0]  }
0x112: {  	v26 =	vld [tilespmem:s31+$0xFFFFFFB0]  }
0x113: {  	v27 =	vld [tilespmem:s31+$0xFFFFFFC0]  }
0x114: {  	v16 =	vld [tilespmem:s31+$0xFFFFFFD0]  }
0x115: {  	v10 =	vmax.f32 v10, v17;
	v11 =	vmax.f32 v11, v19;
	v19 =	vld [tilespmem:s31+$0xFFFFFFE0]  }
0x116: {  	v17 =	vld [tilespmem:s31+$0xFFFFFFF0];
	v10 =	vmax.f32 v10, v15;
	v24 =	vmax.f32 v11, v24  }
0x117: {  	v15 =	vld [tilespmem:s31+$0x70];
	v11 =	vmax.f32 v10, v21;
	v10 =	vmax.f32 v24, v22  }
0x118: {  	s25 =	simm.s32 $0x1;
	s26 =	simm.s32 $0xBE80;
	v21 =	vmax.f32 v18, v25;
	v22 =	vmax.f32 v20, v26;
	v20 =	vmax.f32 v23, v27;
	v18 =	vld [tilespmem:s31+$0xF0]  }
.LBB2_9:
0x119: {  	v23 =	vld [tilespmem:s26+$0x80];
	v12 =	vmax.f32 v21, v12;
	v13 =	vmax.f32 v22, v13;
	v14 =	vmax.f32 v20, v14  }
0x11a: {  	v20 =	vld [tilespmem:s26+$0x90];
	v21 =	vmax.f32 v12, v5;
	v22 =	vmax.f32 v13, v6;
	v24 =	vmax.f32 v14, v7  }
0x11b: {  	v3 =	vmax.f32 v3, v16;
	v4 =	vmax.f32 v4, v19;
	v5 =	vld [tilespmem:s26+$0xA0];
	v2 =	vmax.f32 v2, v17  }
0x11c: {  	v3 =	vmax.f32 v3, v9;
	v4 =	vmax.f32 v4, v8;
	v6 =	vld [tilespmem:s26+$0xB0];
	v2 =	vmax.f32 v2, v15  }
0x11d: {  	v3 =	vmax.f32 v3, v1;
	v4 =	vmax.f32 v4, v0;
	v7 =	vld [tilespmem:s26+$0xC0];
	v2 =	vmax.f32 v2, v18  }
0x11e: {  	v1 =	vld [tilespmem:s26+$0xD0]  }
0x11f: {  	v0 =	vld [tilespmem:s26+$0xE0]  }
0x120: {  	v15 =	vld [tilespmem:s26+$0x0]  }
0x121: {  	v18 =	vld [tilespmem:s26+$0x10]  }
0x122: {  	v12 =	vld [tilespmem:s26+$0x20]  }
0x123: {  	v13 =	vld [tilespmem:s26+$0x30]  }
0x124: {  	v14 =	vld [tilespmem:s26+$0x40]  }
0x125: {  	v9 =	vld [tilespmem:s26+$0x50]  }
0x126: {  	v8 =	vld [tilespmem:s26+$0x60]  }
0x127: {  	v17 =	vld [tilespmem:s26+$0xFFFFFF80]  }
0x128: {  	v19 =	vld [tilespmem:s26+$0xFFFFFF90]  }
0x129: {  	v25 =	vld [tilespmem:s26+$0xFFFFFFA0]  }
0x12a: {  	s25 =	sadd.s32 $0x3, s25;
	v26 =	vld [tilespmem:s26+$0xFFFFFFB0]  }
0x12b: {  	p1 =	slt.u32 s25, $0x61;
	v27 =	vld [tilespmem:s26+$0xFFFFFFC0]  }
.Ltmp5:
0x12c: {  	v16 =	vld [tilespmem:s26+$0xFFFFFFD0];
	(pc) =	sbr.rel @p1 .LBB2_9-.Ltmp5, $4  }
0x12d: {  	v11 =	vmax.f32 v11, v17;
	v10 =	vmax.f32 v10, v19;
	v19 =	vld [tilespmem:s26+$0xFFFFFFE0]  }
0x12e: {  	v11 =	vmax.f32 v11, v15;
	v17 =	vld [tilespmem:s26+$0xFFFFFFF0];
	v10 =	vmax.f32 v10, v18  }
0x12f: {  	v11 =	vmax.f32 v11, v23;
	v15 =	vld [tilespmem:s26+$0x70];
	v10 =	vmax.f32 v10, v20  }
0x130: {  	v21 =	vmax.f32 v21, v25;
	v22 =	vmax.f32 v22, v26;
	v20 =	vmax.f32 v24, v27;
	v18 =	vld [tilespmem:s26+$0xF0];
	s26 =	sadd.s32 $0x180, s26  }
0x131: {  	v23 =	vld [tilespmem:s23+$0xF080]  }
0x132: {  	v24 =	vld [tilespmem:s23+$0xF090]  }
0x133: {  	v25 =	vld [tilespmem:s23+$0xF0A0]  }
0x134: {  	v26 =	vld [tilespmem:s23+$0xF0B0]  }
0x135: {  	v12 =	vmax.f32 v21, v12;
	v13 =	vmax.f32 v22, v13;
	v57 =	vld [tilespmem:s23+$0xF0C0]  }
0x136: {  	v14 =	vmax.f32 v20, v14;
	v58 =	vld [tilespmem:s23+$0xF0D0];
	v3 =	vmax.f32 v3, v16;
	v11 =	vmax.f32 v23, v11  }
0x137: {  	v59 =	vld [tilespmem:s23+$0xF0E0];
	v5 =	vmax.f32 v12, v5;
	v6 =	vmax.f32 v13, v6;
	v10 =	vmax.f32 v24, v10;
	[tilespmem:s23+$0xF080] =	vst v11  }
0x138: {  	v60 =	vld [tilespmem:s23+$0xF0F0];
	v7 =	vmax.f32 v14, v7;
	v4 =	vmax.f32 v4, v19;
	v5 =	vmax.f32 v25, v5;
	[tilespmem:s23+$0xF090] =	vst v10  }
0x139: {  	v3 =	vmax.f32 v3, v9;
	v2 =	vmax.f32 v2, v17;
	v61 =	vmax.f32 v26, v6;
	[tilespmem:s23+$0xF0A0] =	vst v5  }
.Ltmp6:
0x13a: {  	v4 =	vmax.f32 v4, v8;
	v1 =	vmax.f32 v3, v1;
	v62 =	vmax.f32 v57, v7;
	[tilespmem:s23+$0xF0B0] =	vst v61;
	(pc) =	sbr.rel @p0 .LBB2_12-.Ltmp6, $4  }
0x13b: {  	v2 =	vmax.f32 v2, v15;
	v0 =	vmax.f32 v4, v0;
	v1 =	vmax.f32 v58, v1;
	[tilespmem:s23+$0xF0C0] =	vst v62  }
0x13c: {  	v2 =	vmax.f32 v2, v18;
	v0 =	vmax.f32 v59, v0;
	[tilespmem:s23+$0xF0D0] =	vst v1  }
0x13d: {  	v63 =	vmax.f32 v60, v2;
	[tilespmem:s23+$0xF0E0] =	vst v0  }
0x13e: {  	[tilespmem:s23+$0xF0F0] =	vst v63  }
.Ltmp7:
0x13f: {  	(pc) =	sbr.rel .LBB2_2-.Ltmp7, $4  }
0x140: {  	_ = 	snop  }
0x141: {  	s23 =	sshrl.u32 s24, $0x2  }
0x142: {  	s22 =	sadd.s32 $0x1, s22;
	s23 =	sadd.s32 $0x380, s23  }
0x143: {  	[tilespmem:s15], [sflag:$0x4] =	stream.indirect.gather [hbm4b:s2+s8], $0x80, s23, s8, $0xb8;
	[tilespmem:$0x10000] =	vst v63  }
.LBB2_13:
0x144: {  	_ =	sfence.sel $0x180000  }
0x145: {  	[bflag:$0x0] =	sbarrier.arrive $0xFFFF  }
0x146: {  	p0 =	sne.s32 s1, $0x0;
	_ =	strace $0x90000047  }
0x147: {  	s0 =	sadd.s32 @!p0 $0x100000, s0;
	[bflag:$0x2] =	sbarrier.arrive $0xFFFF  }
0x148: {  	[sflag:s0] =	ssyncadd.tile.s32 @!p0 $0x1;
	_ =	shalt  }
.Lfunc_end2:
_tile_overlayer_lowered:
.L_overlay_start_2:
0x149: {  	(tag) =	ssettag $0x2  }
0x14a: {  	s0 =	rddreg [dreg:$0x0];
	s2 =	stileid.u32  }
0x14b: {  	s1 =	rddreg [dreg:$0x1];
	p0 =	sne.s32 s2, $0x0  }
0x14c: {  	s3 =	rddreg [dreg:$0x2];
	[bflag:$0x3] =	sbarrier.arrive $0xFFFF;
	s2 =	simm.s32 @!p0 $0x1C05  }
0x14d: {  	[timem:s3], [sflag:s2] =	dma.local @!p0 [hbm:s0], s1  }
0x14e: {  	s0 =	simm.s32 @!p0 $0x5  }
0x14f: {  	_ =	swait.ge @!p0 [sflag:s0], s1  }
0x150: {  	s1 =	ssub.s32 @!p0 $0x0, s1;
	[sflag:s0] =	ssyncset.done @!p0 $0x0  }
0x151: {  	[sflag:s0] =	ssyncadd.s32 @!p0 s1  }
0x152: {  	[bflag:$0x3] =	sbarrier.arrive $0xFFFF  }
0x153: {  	_ =	shalt  }

</sc_bundles>
